<compile_context>
chip_gen: v7x
topology: tpu7x:2x2x1
jax: 0.10.2.dev20260603
libtpu: 0.0.44.dev20260713+nightly
codegen_flags: <defaults>
</compile_context>

<pallas_src>
import functools
import math

import jax
import jax.numpy as jnp
from jax import lax
from jax.experimental import pallas as pl
from jax.experimental.pallas import tpu as pltpu
from jax.experimental.pallas import tpu_sc as plsc

N = 100000
E = 3200000
NPAD = 102400
ROWS = 800
NCORES = 2
NSUB = 16
NW = NCORES * NSUB
PER_TILE = E // NW
CHUNK = 1600
NFULL = PER_TILE // CHUNK
NPAIR = NFULL // 2
TAIL = PER_TILE - NFULL * CHUNK
TAIL_OFF = NFULL * CHUNK
SLICE = NPAD // NSUB
KE = 1.0 / (4.0 * math.pi * 0.005526349406)


def _pack_body(p_ref, z_ref, tab_ref):
    z = z_ref[...]
    za = jnp.exp(p_ref[0, 0] * jnp.log(z))
    za_hi = jax.lax.bitcast_convert_type(
        za.astype(jnp.bfloat16), jnp.uint16).astype(jnp.uint32) << 16
    z_lo = jax.lax.bitcast_convert_type(
        z.astype(jnp.bfloat16), jnp.uint16).astype(jnp.uint32)
    tab_ref[...] = jax.lax.bitcast_convert_type(za_hi | z_lo, jnp.int32)


def _finish_body(z_ref, p_ref, o_ref):
    o_ref[...] = (KE * z_ref[...]) * (p_ref[0] + p_ref[1])


def _sc_body(tab_hbm, par_hbm, ii_hbm, ij_hbm, dd_hbm, ct_hbm, zz_hbm, out_hbm,
             t_tab, par_v,
             ii_a, ij_a, dd_a, ct_a, ii_b, ij_b, dd_b, ct_b,
             iis_a, rep_a, iis_b, rep_b, iis_t,
             accum, sin_a, sin_b, ssc_a, ssc_b):
    cid = lax.axis_index("c")
    sid = lax.axis_index("s")
    base = cid * (E // NCORES) + sid * PER_TILE

    hi_mask = jnp.full((16,), -65536, jnp.int32)

    def start_in(bufs, off, n):
        ii, ij, dd, ct, sem = bufs
        for hbm, buf in ((ii_hbm, ii), (ij_hbm, ij),
                         (dd_hbm, dd), (ct_hbm, ct)):
            dst = buf if n == CHUNK else buf.at[pl.ds(0, n)]
            pltpu.async_copy(hbm.at[pl.ds(off, n)], dst, sem)

    def wait_in(bufs, off, n):
        ii, ij, dd, ct, sem = bufs
        for hbm, buf in ((ii_hbm, ii), (ij_hbm, ij),
                         (dd_hbm, dd), (ct_hbm, ct)):
            dst = buf if n == CHUNK else buf.at[pl.ds(0, n)]
            pltpu.make_async_copy(hbm.at[pl.ds(off, n)], dst, sem).wait()

    def compute(inbufs, iis_c, rep_c, n):
        ii_c, ij_c, dd_c, ct_c, _ = inbufs

        @plsc.parallel_loop(0, n, step=16, unroll=5)
        def vec_body(o):
            s = pl.ds(o, 16)
            ii = ii_c[s]
            iis_c[s] = ii
            ij = ij_c[s]
            dd = dd_c[s]
            ct = ct_c[s]
            gi = plsc.load_gather(t_tab, [ii])
            gj = plsc.load_gather(t_tab, [ij])
            za_i = plsc.bitcast(gi & hi_mask, jnp.float32)
            za_j = plsc.bitcast(gj & hi_mask, jnp.float32)
            zj = plsc.bitcast(gj << 16, jnp.float32)
            arg = dd * (za_i + za_j) * inv_a
            phi = (c0 * jnp.exp(arg * ne0) + c1 * jnp.exp(arg * ne1)
                   + c2 * jnp.exp(arg * ne2) + c3 * jnp.exp(arg * ne3))
            rep_c[s] = zj * ct * phi / dd

    def start_scatter(iis_c, rep_c, sem, n):
        src = rep_c if n == CHUNK else rep_c.at[pl.ds(0, n)]
        pltpu.async_copy(src, accum.at[iis_c], sem, add=True)

    def wait_scatter(iis_c, rep_c, sem, n):
        src = rep_c if n == CHUNK else rep_c.at[pl.ds(0, n)]
        pltpu.make_async_copy(src, accum.at[iis_c], sem).wait()

    in_a = (ii_a, ij_a, dd_a, ct_a, sin_a)
    in_b = (ii_b, ij_b, dd_b, ct_b, sin_b)

    start_in(in_a, base, CHUNK)
    start_in(in_b, base + CHUNK, CHUNK)
    pltpu.async_copy(tab_hbm, t_tab, ssc_a)
    pltpu.async_copy(par_hbm, par_v, ssc_b)
    pltpu.async_copy(zz_hbm.at[pl.ds(sid * SLICE, SLICE)],
                     accum.at[pl.ds(sid * SLICE, SLICE)], ssc_a)
    pltpu.make_async_copy(tab_hbm, t_tab, ssc_a).wait()
    pltpu.make_async_copy(par_hbm, par_v, ssc_b).wait()
    pltpu.make_async_copy(zz_hbm.at[pl.ds(sid * SLICE, SLICE)],
                          accum.at[pl.ds(sid * SLICE, SLICE)], ssc_a).wait()
    plsc.subcore_barrier()

    inv_a = par_v[1]
    ne0 = par_v[2]
    ne1 = par_v[3]
    ne2 = par_v[4]
    ne3 = par_v[5]
    c0 = par_v[6]
    c1 = par_v[7]
    c2 = par_v[8]
    c3 = par_v[9]

    def pair_body(i, carry):
        off_e = base + (2 * i) * CHUNK
        off_o = off_e + CHUNK
        wait_in(in_a, off_e, CHUNK)

        @pl.when(i > 0)
        def _():
            wait_scatter(iis_a, rep_a, ssc_a, CHUNK)

        compute(in_a, iis_a, rep_a, CHUNK)
        start_scatter(iis_a, rep_a, ssc_a, CHUNK)

        @pl.when(i < NPAIR - 1)
        def _():
            start_in(in_a, off_e + 2 * CHUNK, CHUNK)

        @pl.when(i == NPAIR - 1)
        def _():
            start_in(in_a, base + TAIL_OFF, TAIL)

        wait_in(in_b, off_o, CHUNK)

        @pl.when(i > 0)
        def _():
            wait_scatter(iis_b, rep_b, ssc_b, CHUNK)

        compute(in_b, iis_b, rep_b, CHUNK)
        start_scatter(iis_b, rep_b, ssc_b, CHUNK)

        @pl.when(i < NPAIR - 1)
        def _():
            start_in(in_b, off_o + 2 * CHUNK, CHUNK)
        return carry

    lax.fori_loop(0, NPAIR, pair_body, 0)

    wait_in(in_a, base + TAIL_OFF, TAIL)
    wait_scatter(iis_a, rep_a, ssc_a, CHUNK)
    compute(in_a, iis_t, rep_a, TAIL)
    start_scatter(iis_t, rep_a, ssc_a, TAIL)
    wait_scatter(iis_t, rep_a, ssc_a, TAIL)
    wait_scatter(iis_b, rep_b, ssc_b, CHUNK)

    plsc.subcore_barrier()
    pltpu.sync_copy(accum.at[pl.ds(sid * SLICE, SLICE)],
                    out_hbm.at[cid, pl.ds(sid * SLICE, SLICE)])


_sc_main = functools.partial(
    pl.kernel,
    out_type=jax.ShapeDtypeStruct((NCORES, NPAD), jnp.float32),
    mesh=plsc.VectorSubcoreMesh(core_axis_name="c", subcore_axis_name="s"),
    compiler_params=pltpu.CompilerParams(needs_layout_passes=False),
    scratch_types=[
        pltpu.VMEM((N,), jnp.int32),
        pltpu.VMEM((16, 16), jnp.float32),
        pltpu.VMEM((CHUNK,), jnp.int32),
        pltpu.VMEM((CHUNK,), jnp.int32),
        pltpu.VMEM((CHUNK,), jnp.float32),
        pltpu.VMEM((CHUNK,), jnp.float32),
        pltpu.VMEM((CHUNK,), jnp.int32),
        pltpu.VMEM((CHUNK,), jnp.int32),
        pltpu.VMEM((CHUNK,), jnp.float32),
        pltpu.VMEM((CHUNK,), jnp.float32),
        pltpu.VMEM((CHUNK,), jnp.int32),
        pltpu.VMEM((CHUNK,), jnp.float32),
        pltpu.VMEM((CHUNK,), jnp.int32),
        pltpu.VMEM((CHUNK,), jnp.float32),
        pltpu.VMEM((TAIL,), jnp.int32),
        pltpu.VMEM_SHARED((NPAD,), jnp.float32),
        pltpu.SemaphoreType.DMA,
        pltpu.SemaphoreType.DMA,
        pltpu.SemaphoreType.DMA,
        pltpu.SemaphoreType.DMA,
    ],
)(_sc_body)


def kernel(atomic_numbers, distances, cutoffs, idx_i, idx_j,
           a_coefficient, a_exponent, phi_coefficients, phi_exponents):
    z = atomic_numbers.astype(jnp.float32)
    zpad2d = jnp.concatenate(
        [z, jnp.ones((NPAD - N,), jnp.float32)]).reshape(ROWS, 128)

    p_smem = jnp.abs(a_exponent).astype(jnp.float32).reshape(1, 1)
    tab2d = pl.pallas_call(
        _pack_body,
        out_shape=jax.ShapeDtypeStruct((ROWS, 128), jnp.int32),
        in_specs=[pl.BlockSpec(memory_space=pltpu.SMEM),
                  pl.BlockSpec(memory_space=pltpu.VMEM)],
    )(p_smem, zpad2d)

    p = jnp.abs(a_exponent)[0]
    inv_a = 1.0 / jnp.abs(a_coefficient)[0]
    abs_c = jnp.abs(phi_coefficients)
    coeff = abs_c / jnp.maximum(jnp.sum(abs_c), 1e-12)
    nex = -jnp.abs(phi_exponents)
    scal = jnp.concatenate([
        jnp.stack([p, inv_a]), nex, coeff, jnp.zeros((6,), jnp.float32)])
    params = jnp.broadcast_to(scal[:, None], (16, 16)).astype(jnp.float32)

    zeros_hbm = jnp.zeros((NPAD,), jnp.float32)
    partial = _sc_main(tab2d.reshape(NPAD)[:N], params, idx_i, idx_j,
                       distances, cutoffs, zeros_hbm)

    out2d = pl.pallas_call(
        _finish_body,
        out_shape=jax.ShapeDtypeStruct((ROWS, 128), jnp.float32),
    )(zpad2d, partial.reshape(NCORES, ROWS, 128))
    return out2d.reshape(NPAD)[:N]

# --- scband reference (transcript-rebuilt; emitter-appended) ---
"""Pipeline reference for scband-zbl-repulsion-21861383536753 (READ-ONLY COPY).

The authoritative reference and input builder live on the scoring server;
editing this copy changes nothing except your own understanding.
"""

import jax, jax.numpy as jnp
import numpy as np

N = 100000
E = 3200000


def setup_inputs(seed: int = 0) -> dict:
    key = jax.random.key(seed)
    k1, k2, k3, k4, k5 = jax.random.split(key, 5)
    atomic_numbers = jax.random.uniform(k1, (N,), dtype=jnp.float32)
    distances = jax.random.uniform(k2, (E,), dtype=jnp.float32)
    cutoffs = jax.random.uniform(k3, (E,), dtype=jnp.float32)
    idx_i = jnp.sort(jax.random.randint(k4, (E,), 0, N, dtype=jnp.int32))
    idx_j = jax.random.randint(k5, (E,), 0, N, dtype=jnp.int32)
    # trainable parameters (default ZBL values)
    a_coefficient = jnp.array([0.8854], dtype=jnp.float32)
    a_exponent = jnp.array([0.23], dtype=jnp.float32)
    phi_coefficients = jnp.array([0.18175, 0.50986, 0.28022, 0.02817], dtype=jnp.float32)
    phi_exponents = jnp.array([3.1998, 0.94229, 0.4029, 0.20162], dtype=jnp.float32)
    return {
        "atomic_numbers": atomic_numbers,
        "distances": distances,
        "cutoffs": cutoffs,
        "idx_i": idx_i,
        "idx_j": idx_j,
        "a_coefficient": a_coefficient,
        "a_exponent": a_exponent,
        "phi_coefficients": phi_coefficients,
        "phi_exponents": phi_exponents,
    }


def reference(atomic_numbers, distances, cutoffs, idx_i, idx_j,
              a_coefficient, a_exponent, phi_coefficients, phi_exponents):
    # buffers: unit conversion factors (Hartree/Ang -> identity)
    distances_model2Ang = jnp.float32(1.0)
    energies_Hatree2model = jnp.float32(1.0)
    ke = jnp.float32(1.0 / (4.0 * np.pi * 0.005526349406))

    distances_ang = distances * distances_model2Ang
    za = atomic_numbers ** jnp.abs(a_exponent)
    a_ij = jnp.abs(a_coefficient) / (za[idx_i] + za[idx_j])
    arguments = distances / a_ij
    # torch.nn.functional.normalize(p=1, dim=0): x / max(||x||_1, 1e-12)
    abs_c = jnp.abs(phi_coefficients)
    coefficients = abs_c / jnp.maximum(jnp.sum(abs_c), 1e-12)
    exponents = jnp.abs(phi_exponents)
    phi = jnp.sum(coefficients[None, :] * jnp.exp(-exponents[None, :] * arguments[:, None]), axis=1)
    repulsion = ke * atomic_numbers[idx_i] * atomic_numbers[idx_j] / distances_ang * phi * cutoffs
    Erep = energies_Hatree2model * jax.ops.segment_sum(repulsion, idx_i, num_segments=N)
    return Erep

if __name__ == "__main__":
    import jax
    _d = setup_inputs()
    print(jax.jit(kernel)(*tuple(_d.values())))

</pallas_src>

<mosaic_0001>
#map = affine_map<(d0, d1) -> (0)>
#map1 = affine_map<(d0, d1) -> (0, 0)>
module attributes {stable_mosaic.version = 14 : i64} {
  func.func @_sc_body(%arg0: i32, %arg1: i32, %arg2: memref<100000xi32, #tpu.memory_space<hbm>>, %arg3: memref<16x16xf32, #tpu.memory_space<hbm>>, %arg4: memref<3200000xi32, #tpu.memory_space<hbm>>, %arg5: memref<3200000xi32, #tpu.memory_space<hbm>>, %arg6: memref<3200000xf32, #tpu.memory_space<hbm>>, %arg7: memref<3200000xf32, #tpu.memory_space<hbm>>, %arg8: memref<102400xf32, #tpu.memory_space<hbm>>, %arg9: memref<2x102400xf32, #tpu.memory_space<hbm>>, %arg10: memref<100000xi32, #tpu.memory_space<vmem>>, %arg11: memref<16x16xf32, #tpu.memory_space<vmem>>, %arg12: memref<1600xi32, #tpu.memory_space<vmem>>, %arg13: memref<1600xi32, #tpu.memory_space<vmem>>, %arg14: memref<1600xf32, #tpu.memory_space<vmem>>, %arg15: memref<1600xf32, #tpu.memory_space<vmem>>, %arg16: memref<1600xi32, #tpu.memory_space<vmem>>, %arg17: memref<1600xi32, #tpu.memory_space<vmem>>, %arg18: memref<1600xf32, #tpu.memory_space<vmem>>, %arg19: memref<1600xf32, #tpu.memory_space<vmem>>, %arg20: memref<1600xi32, #tpu.memory_space<vmem>>, %arg21: memref<1600xf32, #tpu.memory_space<vmem>>, %arg22: memref<1600xi32, #tpu.memory_space<vmem>>, %arg23: memref<1600xf32, #tpu.memory_space<vmem>>, %arg24: memref<800xi32, #tpu.memory_space<vmem>>, %arg25: memref<102400xf32, #tpu.memory_space<vmem_shared>>, %arg26: memref<!tpu.dma_semaphore, #tpu.memory_space<semaphore_mem>>, %arg27: memref<!tpu.dma_semaphore, #tpu.memory_space<semaphore_mem>>, %arg28: memref<!tpu.dma_semaphore, #tpu.memory_space<semaphore_mem>>, %arg29: memref<!tpu.dma_semaphore, #tpu.memory_space<semaphore_mem>>) attributes {dimension_semantics = [#tpu.dimension_semantics<core_parallel>, #tpu.dimension_semantics<subcore_parallel>], iteration_bounds = array<i64: 2, 16>, scalar_prefetch = 0 : i64, scratch_operands = 20 : i64, tpu.core_type = #tpu.core_type<sc_vector_subcore>, window_params = [{transform_indices = #map}, {transform_indices = #map1}, {transform_indices = #map}, {transform_indices = #map}, {transform_indices = #map}, {transform_indices = #map}, {transform_indices = #map}, {transform_indices = #map1}]} {
    %mul3A = arith.constant 1600000 : i32
    %mul3A_0 = arith.muli %arg0, %mul3A : i32
    %mul3A_1 = arith.constant 100000 : i32
    %mul3A_2 = arith.muli %arg1, %mul3A_1 : i32
    %add3A = arith.addi %mul3A_0, %mul3A_2 : i32
    %broadcast_in_dim3A = arith.constant -65536 : i32
    %broadcast_in_dim3A_3 = vector.broadcast %broadcast_in_dim3A : i32 to vector<16xi32>
    %dma_start3A = tpu.memref_slice %arg4[%add3A] : memref<3200000xi32, #tpu.memory_space<hbm>> -> memref<1600xi32, #tpu.memory_space<hbm>>
    %dma_start3A_4 = tpu.memref_slice %arg4[%add3A] : memref<3200000xi32, #tpu.memory_space<hbm>> -> memref<1600xi32, #tpu.memory_space<hbm>>
    tpu.enqueue_dma source(%dma_start3A_4 : memref<1600xi32, #tpu.memory_space<hbm>>) target(%arg12 : memref<1600xi32, #tpu.memory_space<vmem>>) target_semaphore(%arg26 : memref<!tpu.dma_semaphore, #tpu.memory_space<semaphore_mem>>)
    %dma_start3A_5 = tpu.memref_slice %arg5[%add3A] : memref<3200000xi32, #tpu.memory_space<hbm>> -> memref<1600xi32, #tpu.memory_space<hbm>>
    %dma_start3A_6 = tpu.memref_slice %arg5[%add3A] : memref<3200000xi32, #tpu.memory_space<hbm>> -> memref<1600xi32, #tpu.memory_space<hbm>>
    tpu.enqueue_dma source(%dma_start3A_6 : memref<1600xi32, #tpu.memory_space<hbm>>) target(%arg13 : memref<1600xi32, #tpu.memory_space<vmem>>) target_semaphore(%arg26 : memref<!tpu.dma_semaphore, #tpu.memory_space<semaphore_mem>>)
    %dma_start3A_7 = tpu.memref_slice %arg6[%add3A] : memref<3200000xf32, #tpu.memory_space<hbm>> -> memref<1600xf32, #tpu.memory_space<hbm>>
    %dma_start3A_8 = tpu.memref_slice %arg6[%add3A] : memref<3200000xf32, #tpu.memory_space<hbm>> -> memref<1600xf32, #tpu.memory_space<hbm>>
    tpu.enqueue_dma source(%dma_start3A_8 : memref<1600xf32, #tpu.memory_space<hbm>>) target(%arg14 : memref<1600xf32, #tpu.memory_space<vmem>>) target_semaphore(%arg26 : memref<!tpu.dma_semaphore, #tpu.memory_space<semaphore_mem>>)
    %dma_start3A_9 = tpu.memref_slice %arg7[%add3A] : memref<3200000xf32, #tpu.memory_space<hbm>> -> memref<1600xf32, #tpu.memory_space<hbm>>
    %dma_start3A_10 = tpu.memref_slice %arg7[%add3A] : memref<3200000xf32, #tpu.memory_space<hbm>> -> memref<1600xf32, #tpu.memory_space<hbm>>
    tpu.enqueue_dma source(%dma_start3A_10 : memref<1600xf32, #tpu.memory_space<hbm>>) target(%arg15 : memref<1600xf32, #tpu.memory_space<vmem>>) target_semaphore(%arg26 : memref<!tpu.dma_semaphore, #tpu.memory_space<semaphore_mem>>)
    %add3A_11 = arith.constant 1600 : i32
    %add3A_12 = arith.addi %add3A, %add3A_11 : i32
    %dma_start3A_13 = tpu.memref_slice %arg4[%add3A_12] : memref<3200000xi32, #tpu.memory_space<hbm>> -> memref<1600xi32, #tpu.memory_space<hbm>>
    %dma_start3A_14 = tpu.memref_slice %arg4[%add3A_12] : memref<3200000xi32, #tpu.memory_space<hbm>> -> memref<1600xi32, #tpu.memory_space<hbm>>
    tpu.enqueue_dma source(%dma_start3A_14 : memref<1600xi32, #tpu.memory_space<hbm>>) target(%arg16 : memref<1600xi32, #tpu.memory_space<vmem>>) target_semaphore(%arg27 : memref<!tpu.dma_semaphore, #tpu.memory_space<semaphore_mem>>)
    %dma_start3A_15 = tpu.memref_slice %arg5[%add3A_12] : memref<3200000xi32, #tpu.memory_space<hbm>> -> memref<1600xi32, #tpu.memory_space<hbm>>
    %dma_start3A_16 = tpu.memref_slice %arg5[%add3A_12] : memref<3200000xi32, #tpu.memory_space<hbm>> -> memref<1600xi32, #tpu.memory_space<hbm>>
    tpu.enqueue_dma source(%dma_start3A_16 : memref<1600xi32, #tpu.memory_space<hbm>>) target(%arg17 : memref<1600xi32, #tpu.memory_space<vmem>>) target_semaphore(%arg27 : memref<!tpu.dma_semaphore, #tpu.memory_space<semaphore_mem>>)
    %dma_start3A_17 = tpu.memref_slice %arg6[%add3A_12] : memref<3200000xf32, #tpu.memory_space<hbm>> -> memref<1600xf32, #tpu.memory_space<hbm>>
    %dma_start3A_18 = tpu.memref_slice %arg6[%add3A_12] : memref<3200000xf32, #tpu.memory_space<hbm>> -> memref<1600xf32, #tpu.memory_space<hbm>>
    tpu.enqueue_dma source(%dma_start3A_18 : memref<1600xf32, #tpu.memory_space<hbm>>) target(%arg18 : memref<1600xf32, #tpu.memory_space<vmem>>) target_semaphore(%arg27 : memref<!tpu.dma_semaphore, #tpu.memory_space<semaphore_mem>>)
    %dma_start3A_19 = tpu.memref_slice %arg7[%add3A_12] : memref<3200000xf32, #tpu.memory_space<hbm>> -> memref<1600xf32, #tpu.memory_space<hbm>>
    %dma_start3A_20 = tpu.memref_slice %arg7[%add3A_12] : memref<3200000xf32, #tpu.memory_space<hbm>> -> memref<1600xf32, #tpu.memory_space<hbm>>
    tpu.enqueue_dma source(%dma_start3A_20 : memref<1600xf32, #tpu.memory_space<hbm>>) target(%arg19 : memref<1600xf32, #tpu.memory_space<vmem>>) target_semaphore(%arg27 : memref<!tpu.dma_semaphore, #tpu.memory_space<semaphore_mem>>)
    tpu.enqueue_dma source(%arg2 : memref<100000xi32, #tpu.memory_space<hbm>>) target(%arg10 : memref<100000xi32, #tpu.memory_space<vmem>>) target_semaphore(%arg28 : memref<!tpu.dma_semaphore, #tpu.memory_space<semaphore_mem>>)
    tpu.enqueue_dma source(%arg3 : memref<16x16xf32, #tpu.memory_space<hbm>>) target(%arg11 : memref<16x16xf32, #tpu.memory_space<vmem>>) target_semaphore(%arg29 : memref<!tpu.dma_semaphore, #tpu.memory_space<semaphore_mem>>)
    %mul3A_21 = arith.constant 6400 : i32
    %mul3A_22 = arith.muli %arg1, %mul3A_21 : i32
    %mul3A_23 = arith.constant 6400 : i32
    %mul3A_24 = arith.muli %arg1, %mul3A_23 : i32
    %dma_start3A_25 = tpu.memref_slice %arg25[%mul3A_24] : memref<102400xf32, #tpu.memory_space<vmem_shared>> -> memref<6400xf32, #tpu.memory_space<vmem_shared>>
    %dma_start3A_26 = tpu.memref_slice %arg8[%mul3A_22] : memref<102400xf32, #tpu.memory_space<hbm>> -> memref<6400xf32, #tpu.memory_space<hbm>>
    tpu.enqueue_dma source(%dma_start3A_26 : memref<6400xf32, #tpu.memory_space<hbm>>) target(%dma_start3A_25 : memref<6400xf32, #tpu.memory_space<vmem_shared>>) target_semaphore(%arg28 : memref<!tpu.dma_semaphore, #tpu.memory_space<semaphore_mem>>)
    tpu.wait_dma2 semaphore(%arg28 : memref<!tpu.dma_semaphore, #tpu.memory_space<semaphore_mem>>) src(%arg2 : memref<100000xi32, #tpu.memory_space<hbm>>) dst(%arg10 : memref<100000xi32, #tpu.memory_space<vmem>>)
    tpu.wait_dma2 semaphore(%arg29 : memref<!tpu.dma_semaphore, #tpu.memory_space<semaphore_mem>>) src(%arg3 : memref<16x16xf32, #tpu.memory_space<hbm>>) dst(%arg11 : memref<16x16xf32, #tpu.memory_space<vmem>>)
    %mul3A_27 = arith.constant 6400 : i32
    %mul3A_28 = arith.muli %arg1, %mul3A_27 : i32
    %mul3A_29 = arith.constant 6400 : i32
    %mul3A_30 = arith.muli %arg1, %mul3A_29 : i32
    %dma_wait3A = tpu.memref_slice %arg25[%mul3A_30] : memref<102400xf32, #tpu.memory_space<vmem_shared>> -> memref<6400xf32, #tpu.memory_space<vmem_shared>>
    %dma_wait3A_31 = tpu.memref_slice %arg8[%mul3A_28] : memref<102400xf32, #tpu.memory_space<hbm>> -> memref<6400xf32, #tpu.memory_space<hbm>>
    tpu.wait_dma2 semaphore(%arg28 : memref<!tpu.dma_semaphore, #tpu.memory_space<semaphore_mem>>) src(%dma_wait3A_31 : memref<6400xf32, #tpu.memory_space<hbm>>) dst(%dma_wait3A : memref<6400xf32, #tpu.memory_space<vmem_shared>>)
    %barrier3A = arith.constant 0 : index
    tpu.barrier barrier_id(%barrier3A)
    %get3A = arith.constant 1 : i32
    %get3A_32 = arith.index_cast %get3A : i32 to index
    %get3A_33 = arith.constant 0 : index
    %get3A_34 = tpu.vector_load %arg11[%get3A_32, %get3A_33] {strides = array<i32>} : memref<16x16xf32, #tpu.memory_space<vmem>>, vector<16xf32>,
    %get3A_35 = arith.constant 2 : i32
    %get3A_36 = arith.index_cast %get3A_35 : i32 to index
    %get3A_37 = arith.constant 0 : index
    %get3A_38 = tpu.vector_load %arg11[%get3A_36, %get3A_37] {strides = array<i32>} : memref<16x16xf32, #tpu.memory_space<vmem>>, vector<16xf32>,
    %get3A_39 = arith.constant 3 : i32
    %get3A_40 = arith.index_cast %get3A_39 : i32 to index
    %get3A_41 = arith.constant 0 : index
    %get3A_42 = tpu.vector_load %arg11[%get3A_40, %get3A_41] {strides = array<i32>} : memref<16x16xf32, #tpu.memory_space<vmem>>, vector<16xf32>,
    %get3A_43 = arith.constant 4 : i32
    %get3A_44 = arith.index_cast %get3A_43 : i32 to index
    %get3A_45 = arith.constant 0 : index
    %get3A_46 = tpu.vector_load %arg11[%get3A_44, %get3A_45] {strides = array<i32>} : memref<16x16xf32, #tpu.memory_space<vmem>>, vector<16xf32>,
    %get3A_47 = arith.constant 5 : i32
    %get3A_48 = arith.index_cast %get3A_47 : i32 to index
    %get3A_49 = arith.constant 0 : index
    %get3A_50 = tpu.vector_load %arg11[%get3A_48, %get3A_49] {strides = array<i32>} : memref<16x16xf32, #tpu.memory_space<vmem>>, vector<16xf32>,
    %get3A_51 = arith.constant 6 : i32
    %get3A_52 = arith.index_cast %get3A_51 : i32 to index
    %get3A_53 = arith.constant 0 : index
    %get3A_54 = tpu.vector_load %arg11[%get3A_52, %get3A_53] {strides = array<i32>} : memref<16x16xf32, #tpu.memory_space<vmem>>, vector<16xf32>,
    %get3A_55 = arith.constant 7 : i32
    %get3A_56 = arith.index_cast %get3A_55 : i32 to index
    %get3A_57 = arith.constant 0 : index
    %get3A_58 = tpu.vector_load %arg11[%get3A_56, %get3A_57] {strides = array<i32>} : memref<16x16xf32, #tpu.memory_space<vmem>>, vector<16xf32>,
    %get3A_59 = arith.constant 8 : i32
    %get3A_60 = arith.index_cast %get3A_59 : i32 to index
    %get3A_61 = arith.constant 0 : index
    %get3A_62 = tpu.vector_load %arg11[%get3A_60, %get3A_61] {strides = array<i32>} : memref<16x16xf32, #tpu.memory_space<vmem>>, vector<16xf32>,
    %get3A_63 = arith.constant 9 : i32
    %get3A_64 = arith.index_cast %get3A_63 : i32 to index
    %get3A_65 = arith.constant 0 : index
    %get3A_66 = tpu.vector_load %arg11[%get3A_64, %get3A_65] {strides = array<i32>} : memref<16x16xf32, #tpu.memory_space<vmem>>, vector<16xf32>,
    %scan3A = arith.constant 0 : i32
    %scan3A_67 = arith.constant 0 : i32
    %scan3A_68 = arith.constant 31 : i32
    %scan3A_69 = arith.addi %scan3A_67, %scan3A_68 : i32
    %scan3A_70 = arith.constant 1 : i32
    scf.for %scan3A_117 = %scan3A_67 to %scan3A_69 step %scan3A_70  : i32 {
      %mul3A_118 = arith.constant 2 : i32
      %mul3A_119 = arith.muli %mul3A_118, %scan3A_117 : i32
      %mul3A_120 = arith.constant 1600 : i32
      %mul3A_121 = arith.muli %mul3A_119, %mul3A_120 : i32
      %add3A_122 = arith.addi %add3A, %mul3A_121 : i32
      %add3A_123 = arith.constant 1600 : i32
      %add3A_124 = arith.addi %add3A_122, %add3A_123 : i32
      %dma_wait3A_125 = tpu.memref_slice %arg4[%add3A_122] : memref<3200000xi32, #tpu.memory_space<hbm>> -> memref<1600xi32, #tpu.memory_space<hbm>>
      %dma_wait3A_126 = tpu.memref_slice %arg4[%add3A_122] : memref<3200000xi32, #tpu.memory_space<hbm>> -> memref<1600xi32, #tpu.memory_space<hbm>>
      tpu.wait_dma2 semaphore(%arg26 : memref<!tpu.dma_semaphore, #tpu.memory_space<semaphore_mem>>) src(%dma_wait3A_126 : memref<1600xi32, #tpu.memory_space<hbm>>) dst(%arg12 : memref<1600xi32, #tpu.memory_space<vmem>>)
      %dma_wait3A_127 = tpu.memref_slice %arg5[%add3A_122] : memref<3200000xi32, #tpu.memory_space<hbm>> -> memref<1600xi32, #tpu.memory_space<hbm>>
      %dma_wait3A_128 = tpu.memref_slice %arg5[%add3A_122] : memref<3200000xi32, #tpu.memory_space<hbm>> -> memref<1600xi32, #tpu.memory_space<hbm>>
      tpu.wait_dma2 semaphore(%arg26 : memref<!tpu.dma_semaphore, #tpu.memory_space<semaphore_mem>>) src(%dma_wait3A_128 : memref<1600xi32, #tpu.memory_space<hbm>>) dst(%arg13 : memref<1600xi32, #tpu.memory_space<vmem>>)
      %dma_wait3A_129 = tpu.memref_slice %arg6[%add3A_122] : memref<3200000xf32, #tpu.memory_space<hbm>> -> memref<1600xf32, #tpu.memory_space<hbm>>
      %dma_wait3A_130 = tpu.memref_slice %arg6[%add3A_122] : memref<3200000xf32, #tpu.memory_space<hbm>> -> memref<1600xf32, #tpu.memory_space<hbm>>
      tpu.wait_dma2 semaphore(%arg26 : memref<!tpu.dma_semaphore, #tpu.memory_space<semaphore_mem>>) src(%dma_wait3A_130 : memref<1600xf32, #tpu.memory_space<hbm>>) dst(%arg14 : memref<1600xf32, #tpu.memory_space<vmem>>)
      %dma_wait3A_131 = tpu.memref_slice %arg7[%add3A_122] : memref<3200000xf32, #tpu.memory_space<hbm>> -> memref<1600xf32, #tpu.memory_space<hbm>>
      %dma_wait3A_132 = tpu.memref_slice %arg7[%add3A_122] : memref<3200000xf32, #tpu.memory_space<hbm>> -> memref<1600xf32, #tpu.memory_space<hbm>>
      tpu.wait_dma2 semaphore(%arg26 : memref<!tpu.dma_semaphore, #tpu.memory_space<semaphore_mem>>) src(%dma_wait3A_132 : memref<1600xf32, #tpu.memory_space<hbm>>) dst(%arg15 : memref<1600xf32, #tpu.memory_space<vmem>>)
      %gt3A = arith.constant 0 : i32
      %gt3A_133 = arith.cmpi sgt, %scan3A_117, %gt3A : i32
      %convert_element_type3A = arith.extui %gt3A_133 : i1 to i32
      %cond3A = arith.constant 0 : i32
      %cond3A_134 = arith.cmpi ne, %convert_element_type3A, %cond3A : i32
      scf.if %cond3A_134 {
        %dma_wait3A_171 = arith.constant 0 : i32
        %dma_wait3A_172 = tpu.memref_slice %arg25[%dma_wait3A_171] : memref<102400xf32, #tpu.memory_space<vmem_shared>> -> memref<102400xf32, #tpu.memory_space<vmem_shared>>
        tpu.wait_indirect_dma semaphore(%arg28 : memref<!tpu.dma_semaphore, #tpu.memory_space<semaphore_mem>>) src(%arg21 : memref<1600xf32, #tpu.memory_space<vmem>>) dst(%dma_wait3A_172 : memref<102400xf32, #tpu.memory_space<vmem_shared>>)
      } else {
      }
      %parallel_loop3A_135 = arith.constant 0 : i32
      %parallel_loop3A_136 = arith.constant 1600 : i32
      %parallel_loop3A_137 = arith.constant 16 : i32
      scf.for %parallel_loop3A_171 = %parallel_loop3A_135 to %parallel_loop3A_136 step %parallel_loop3A_137  : i32 {
        %parallel_loop3A_172 = arith.index_cast %parallel_loop3A_171 : i32 to index
        %parallel_loop3A_173 = tpu.vector_load %arg12[%parallel_loop3A_172] {strides = array<i32>} : memref<1600xi32, #tpu.memory_space<vmem>>, vector<16xi32>,
        %parallel_loop3A_174 = arith.index_cast %parallel_loop3A_171 : i32 to index
        %parallel_loop3A_175 = tpu.vector_load %arg20[%parallel_loop3A_174] {strides = array<i32>} : memref<1600xi32, #tpu.memory_space<vmem>>, vector<16xi32>,
        tpu.vector_store %arg20[%parallel_loop3A_174], %parallel_loop3A_173 {strides = array<i32>} : memref<1600xi32, #tpu.memory_space<vmem>>, vector<16xi32>,
        %parallel_loop3A_176 = arith.index_cast %parallel_loop3A_171 : i32 to index
        %parallel_loop3A_177 = tpu.vector_load %arg13[%parallel_loop3A_176] {strides = array<i32>} : memref<1600xi32, #tpu.memory_space<vmem>>, vector<16xi32>,
        %parallel_loop3A_178 = arith.index_cast %parallel_loop3A_171 : i32 to index
        %parallel_loop3A_179 = tpu.vector_load %arg14[%parallel_loop3A_178] {strides = array<i32>} : memref<1600xf32, #tpu.memory_space<vmem>>, vector<16xf32>,
        %parallel_loop3A_180 = arith.index_cast %parallel_loop3A_171 : i32 to index
        %parallel_loop3A_181 = tpu.vector_load %arg15[%parallel_loop3A_180] {strides = array<i32>} : memref<1600xf32, #tpu.memory_space<vmem>>, vector<16xf32>,
        %parallel_loop3A_182 = tpu.vector_load_idx %arg10[%parallel_loop3A_173] : memref<100000xi32, #tpu.memory_space<vmem>>[vector<16xi32>], vector<16xi32>,
        %parallel_loop3A_183 = tpu.vector_load_idx %arg10[%parallel_loop3A_177] : memref<100000xi32, #tpu.memory_space<vmem>>[vector<16xi32>], vector<16xi32>,
        %parallel_loop3A_184 = arith.andi %parallel_loop3A_182, %broadcast_in_dim3A_3 : vector<16xi32>
        %parallel_loop3A_185 = vector.bitcast %parallel_loop3A_184 : vector<16xi32> to vector<16xf32>
        %parallel_loop3A_186 = arith.andi %parallel_loop3A_183, %broadcast_in_dim3A_3 : vector<16xi32>
        %parallel_loop3A_187 = vector.bitcast %parallel_loop3A_186 : vector<16xi32> to vector<16xf32>
        %parallel_loop3A_188 = arith.constant 16 : i32
        %parallel_loop3A_189 = vector.broadcast %parallel_loop3A_188 : i32 to vector<16xi32>
        %parallel_loop3A_190 = arith.shli %parallel_loop3A_183, %parallel_loop3A_189 : vector<16xi32>
        %parallel_loop3A_191 = vector.bitcast %parallel_loop3A_190 : vector<16xi32> to vector<16xf32>
        %parallel_loop3A_192 = arith.addf %parallel_loop3A_185, %parallel_loop3A_187 : vector<16xf32>
        %parallel_loop3A_193 = arith.mulf %parallel_loop3A_179, %parallel_loop3A_192 : vector<16xf32>
        %parallel_loop3A_194 = arith.mulf %parallel_loop3A_193, %get3A_34 : vector<16xf32>
        %parallel_loop3A_195 = arith.mulf %parallel_loop3A_194, %get3A_38 : vector<16xf32>
        %parallel_loop3A_196 = math.exp %parallel_loop3A_195 : vector<16xf32>
        %parallel_loop3A_197 = arith.mulf %get3A_54, %parallel_loop3A_196 : vector<16xf32>
        %parallel_loop3A_198 = arith.mulf %parallel_loop3A_194, %get3A_42 : vector<16xf32>
        %parallel_loop3A_199 = math.exp %parallel_loop3A_198 : vector<16xf32>
        %parallel_loop3A_200 = arith.mulf %get3A_58, %parallel_loop3A_199 : vector<16xf32>
        %parallel_loop3A_201 = arith.addf %parallel_loop3A_197, %parallel_loop3A_200 : vector<16xf32>
        %parallel_loop3A_202 = arith.mulf %parallel_loop3A_194, %get3A_46 : vector<16xf32>
        %parallel_loop3A_203 = math.exp %parallel_loop3A_202 : vector<16xf32>
        %parallel_loop3A_204 = arith.mulf %get3A_62, %parallel_loop3A_203 : vector<16xf32>
        %parallel_loop3A_205 = arith.addf %parallel_loop3A_201, %parallel_loop3A_204 : vector<16xf32>
        %parallel_loop3A_206 = arith.mulf %parallel_loop3A_194, %get3A_50 : vector<16xf32>
        %parallel_loop3A_207 = math.exp %parallel_loop3A_206 : vector<16xf32>
        %parallel_loop3A_208 = arith.mulf %get3A_66, %parallel_loop3A_207 : vector<16xf32>
        %parallel_loop3A_209 = arith.addf %parallel_loop3A_205, %parallel_loop3A_208 : vector<16xf32>
        %parallel_loop3A_210 = arith.mulf %parallel_loop3A_191, %parallel_loop3A_181 : vector<16xf32>
        %parallel_loop3A_211 = arith.mulf %parallel_loop3A_210, %parallel_loop3A_209 : vector<16xf32>
        %parallel_loop3A_212 = arith.divf %parallel_loop3A_211, %parallel_loop3A_179 : vector<16xf32>
        %parallel_loop3A_213 = arith.index_cast %parallel_loop3A_171 : i32 to index
        %parallel_loop3A_214 = tpu.vector_load %arg21[%parallel_loop3A_213] {strides = array<i32>} : memref<1600xf32, #tpu.memory_space<vmem>>, vector<16xf32>,
        tpu.vector_store %arg21[%parallel_loop3A_213], %parallel_loop3A_212 {strides = array<i32>} : memref<1600xf32, #tpu.memory_space<vmem>>, vector<16xf32>,
      } {sc.loop_unroll_factor = 5 : i64, sc.parallel_access}
      %dma_start3A_138 = arith.constant 0 : i32
      %dma_start3A_139 = tpu.memref_slice %arg25[%dma_start3A_138] : memref<102400xf32, #tpu.memory_space<vmem_shared>> -> memref<102400xf32, #tpu.memory_space<vmem_shared>>
      tpu.enqueue_indirect_dma source(%arg21 : memref<1600xf32, #tpu.memory_space<vmem>>) target(%dma_start3A_139 : memref<102400xf32, #tpu.memory_space<vmem_shared>>) offsets(%arg20 : memref<1600xi32, #tpu.memory_space<vmem>>) semaphore(%arg28 : memref<!tpu.dma_semaphore, #tpu.memory_space<semaphore_mem>>) {add = true}
      %lt3A = arith.constant 30 : i32
      %lt3A_140 = arith.cmpi slt, %scan3A_117, %lt3A : i32
      %convert_element_type3A_141 = arith.extui %lt3A_140 : i1 to i32
      %cond3A_142 = arith.constant 0 : i32
      %cond3A_143 = arith.cmpi ne, %convert_element_type3A_141, %cond3A_142 : i32
      scf.if %cond3A_143 {
        %add3A_171 = arith.constant 3200 : i32
        %add3A_172 = arith.addi %add3A_122, %add3A_171 : i32
        %dma_start3A_173 = tpu.memref_slice %arg4[%add3A_172] : memref<3200000xi32, #tpu.memory_space<hbm>> -> memref<1600xi32, #tpu.memory_space<hbm>>
        %dma_start3A_174 = tpu.memref_slice %arg4[%add3A_172] : memref<3200000xi32, #tpu.memory_space<hbm>> -> memref<1600xi32, #tpu.memory_space<hbm>>
        tpu.enqueue_dma source(%dma_start3A_174 : memref<1600xi32, #tpu.memory_space<hbm>>) target(%arg12 : memref<1600xi32, #tpu.memory_space<vmem>>) target_semaphore(%arg26 : memref<!tpu.dma_semaphore, #tpu.memory_space<semaphore_mem>>)
        %dma_start3A_175 = tpu.memref_slice %arg5[%add3A_172] : memref<3200000xi32, #tpu.memory_space<hbm>> -> memref<1600xi32, #tpu.memory_space<hbm>>
        %dma_start3A_176 = tpu.memref_slice %arg5[%add3A_172] : memref<3200000xi32, #tpu.memory_space<hbm>> -> memref<1600xi32, #tpu.memory_space<hbm>>
        tpu.enqueue_dma source(%dma_start3A_176 : memref<1600xi32, #tpu.memory_space<hbm>>) target(%arg13 : memref<1600xi32, #tpu.memory_space<vmem>>) target_semaphore(%arg26 : memref<!tpu.dma_semaphore, #tpu.memory_space<semaphore_mem>>)
        %dma_start3A_177 = tpu.memref_slice %arg6[%add3A_172] : memref<3200000xf32, #tpu.memory_space<hbm>> -> memref<1600xf32, #tpu.memory_space<hbm>>
        %dma_start3A_178 = tpu.memref_slice %arg6[%add3A_172] : memref<3200000xf32, #tpu.memory_space<hbm>> -> memref<1600xf32, #tpu.memory_space<hbm>>
        tpu.enqueue_dma source(%dma_start3A_178 : memref<1600xf32, #tpu.memory_space<hbm>>) target(%arg14 : memref<1600xf32, #tpu.memory_space<vmem>>) target_semaphore(%arg26 : memref<!tpu.dma_semaphore, #tpu.memory_space<semaphore_mem>>)
        %dma_start3A_179 = tpu.memref_slice %arg7[%add3A_172] : memref<3200000xf32, #tpu.memory_space<hbm>> -> memref<1600xf32, #tpu.memory_space<hbm>>
        %dma_start3A_180 = tpu.memref_slice %arg7[%add3A_172] : memref<3200000xf32, #tpu.memory_space<hbm>> -> memref<1600xf32, #tpu.memory_space<hbm>>
        tpu.enqueue_dma source(%dma_start3A_180 : memref<1600xf32, #tpu.memory_space<hbm>>) target(%arg15 : memref<1600xf32, #tpu.memory_space<vmem>>) target_semaphore(%arg26 : memref<!tpu.dma_semaphore, #tpu.memory_space<semaphore_mem>>)
      } else {
      }
      %eq3A = arith.constant 30 : i32
      %eq3A_144 = arith.cmpi eq, %scan3A_117, %eq3A : i32
      %convert_element_type3A_145 = arith.extui %eq3A_144 : i1 to i32
      %cond3A_146 = arith.constant 0 : i32
      %cond3A_147 = arith.cmpi ne, %convert_element_type3A_145, %cond3A_146 : i32
      scf.if %cond3A_147 {
        %add3A_171 = arith.constant 99200 : i32
        %add3A_172 = arith.addi %add3A, %add3A_171 : i32
        %dma_start3A_173 = arith.constant 0 : i32
        %dma_start3A_174 = tpu.memref_slice %arg12[%dma_start3A_173] : memref<1600xi32, #tpu.memory_space<vmem>> -> memref<800xi32, #tpu.memory_space<vmem>>
        %dma_start3A_175 = tpu.memref_slice %arg4[%add3A_172] : memref<3200000xi32, #tpu.memory_space<hbm>> -> memref<800xi32, #tpu.memory_space<hbm>>
        %dma_start3A_176 = arith.constant 0 : i32
        %dma_start3A_177 = tpu.memref_slice %arg12[%dma_start3A_176] : memref<1600xi32, #tpu.memory_space<vmem>> -> memref<800xi32, #tpu.memory_space<vmem>>
        %dma_start3A_178 = tpu.memref_slice %arg4[%add3A_172] : memref<3200000xi32, #tpu.memory_space<hbm>> -> memref<800xi32, #tpu.memory_space<hbm>>
        tpu.enqueue_dma source(%dma_start3A_178 : memref<800xi32, #tpu.memory_space<hbm>>) target(%dma_start3A_177 : memref<800xi32, #tpu.memory_space<vmem>>) target_semaphore(%arg26 : memref<!tpu.dma_semaphore, #tpu.memory_space<semaphore_mem>>)
        %dma_start3A_179 = arith.constant 0 : i32
        %dma_start3A_180 = tpu.memref_slice %arg13[%dma_start3A_179] : memref<1600xi32, #tpu.memory_space<vmem>> -> memref<800xi32, #tpu.memory_space<vmem>>
        %dma_start3A_181 = tpu.memref_slice %arg5[%add3A_172] : memref<3200000xi32, #tpu.memory_space<hbm>> -> memref<800xi32, #tpu.memory_space<hbm>>
        %dma_start3A_182 = arith.constant 0 : i32
        %dma_start3A_183 = tpu.memref_slice %arg13[%dma_start3A_182] : memref<1600xi32, #tpu.memory_space<vmem>> -> memref<800xi32, #tpu.memory_space<vmem>>
        %dma_start3A_184 = tpu.memref_slice %arg5[%add3A_172] : memref<3200000xi32, #tpu.memory_space<hbm>> -> memref<800xi32, #tpu.memory_space<hbm>>
        tpu.enqueue_dma source(%dma_start3A_184 : memref<800xi32, #tpu.memory_space<hbm>>) target(%dma_start3A_183 : memref<800xi32, #tpu.memory_space<vmem>>) target_semaphore(%arg26 : memref<!tpu.dma_semaphore, #tpu.memory_space<semaphore_mem>>)
        %dma_start3A_185 = arith.constant 0 : i32
        %dma_start3A_186 = tpu.memref_slice %arg14[%dma_start3A_185] : memref<1600xf32, #tpu.memory_space<vmem>> -> memref<800xf32, #tpu.memory_space<vmem>>
        %dma_start3A_187 = tpu.memref_slice %arg6[%add3A_172] : memref<3200000xf32, #tpu.memory_space<hbm>> -> memref<800xf32, #tpu.memory_space<hbm>>
        %dma_start3A_188 = arith.constant 0 : i32
        %dma_start3A_189 = tpu.memref_slice %arg14[%dma_start3A_188] : memref<1600xf32, #tpu.memory_space<vmem>> -> memref<800xf32, #tpu.memory_space<vmem>>
        %dma_start3A_190 = tpu.memref_slice %arg6[%add3A_172] : memref<3200000xf32, #tpu.memory_space<hbm>> -> memref<800xf32, #tpu.memory_space<hbm>>
        tpu.enqueue_dma source(%dma_start3A_190 : memref<800xf32, #tpu.memory_space<hbm>>) target(%dma_start3A_189 : memref<800xf32, #tpu.memory_space<vmem>>) target_semaphore(%arg26 : memref<!tpu.dma_semaphore, #tpu.memory_space<semaphore_mem>>)
        %dma_start3A_191 = arith.constant 0 : i32
        %dma_start3A_192 = tpu.memref_slice %arg15[%dma_start3A_191] : memref<1600xf32, #tpu.memory_space<vmem>> -> memref<800xf32, #tpu.memory_space<vmem>>
        %dma_start3A_193 = tpu.memref_slice %arg7[%add3A_172] : memref<3200000xf32, #tpu.memory_space<hbm>> -> memref<800xf32, #tpu.memory_space<hbm>>
        %dma_start3A_194 = arith.constant 0 : i32
        %dma_start3A_195 = tpu.memref_slice %arg15[%dma_start3A_194] : memref<1600xf32, #tpu.memory_space<vmem>> -> memref<800xf32, #tpu.memory_space<vmem>>
        %dma_start3A_196 = tpu.memref_slice %arg7[%add3A_172] : memref<3200000xf32, #tpu.memory_space<hbm>> -> memref<800xf32, #tpu.memory_space<hbm>>
        tpu.enqueue_dma source(%dma_start3A_196 : memref<800xf32, #tpu.memory_space<hbm>>) target(%dma_start3A_195 : memref<800xf32, #tpu.memory_space<vmem>>) target_semaphore(%arg26 : memref<!tpu.dma_semaphore, #tpu.memory_space<semaphore_mem>>)
      } else {
      }
      %dma_wait3A_148 = tpu.memref_slice %arg4[%add3A_124] : memref<3200000xi32, #tpu.memory_space<hbm>> -> memref<1600xi32, #tpu.memory_space<hbm>>
      %dma_wait3A_149 = tpu.memref_slice %arg4[%add3A_124] : memref<3200000xi32, #tpu.memory_space<hbm>> -> memref<1600xi32, #tpu.memory_space<hbm>>
      tpu.wait_dma2 semaphore(%arg27 : memref<!tpu.dma_semaphore, #tpu.memory_space<semaphore_mem>>) src(%dma_wait3A_149 : memref<1600xi32, #tpu.memory_space<hbm>>) dst(%arg16 : memref<1600xi32, #tpu.memory_space<vmem>>)
      %dma_wait3A_150 = tpu.memref_slice %arg5[%add3A_124] : memref<3200000xi32, #tpu.memory_space<hbm>> -> memref<1600xi32, #tpu.memory_space<hbm>>
      %dma_wait3A_151 = tpu.memref_slice %arg5[%add3A_124] : memref<3200000xi32, #tpu.memory_space<hbm>> -> memref<1600xi32, #tpu.memory_space<hbm>>
      tpu.wait_dma2 semaphore(%arg27 : memref<!tpu.dma_semaphore, #tpu.memory_space<semaphore_mem>>) src(%dma_wait3A_151 : memref<1600xi32, #tpu.memory_space<hbm>>) dst(%arg17 : memref<1600xi32, #tpu.memory_space<vmem>>)
      %dma_wait3A_152 = tpu.memref_slice %arg6[%add3A_124] : memref<3200000xf32, #tpu.memory_space<hbm>> -> memref<1600xf32, #tpu.memory_space<hbm>>
      %dma_wait3A_153 = tpu.memref_slice %arg6[%add3A_124] : memref<3200000xf32, #tpu.memory_space<hbm>> -> memref<1600xf32, #tpu.memory_space<hbm>>
      tpu.wait_dma2 semaphore(%arg27 : memref<!tpu.dma_semaphore, #tpu.memory_space<semaphore_mem>>) src(%dma_wait3A_153 : memref<1600xf32, #tpu.memory_space<hbm>>) dst(%arg18 : memref<1600xf32, #tpu.memory_space<vmem>>)
      %dma_wait3A_154 = tpu.memref_slice %arg7[%add3A_124] : memref<3200000xf32, #tpu.memory_space<hbm>> -> memref<1600xf32, #tpu.memory_space<hbm>>
      %dma_wait3A_155 = tpu.memref_slice %arg7[%add3A_124] : memref<3200000xf32, #tpu.memory_space<hbm>> -> memref<1600xf32, #tpu.memory_space<hbm>>
      tpu.wait_dma2 semaphore(%arg27 : memref<!tpu.dma_semaphore, #tpu.memory_space<semaphore_mem>>) src(%dma_wait3A_155 : memref<1600xf32, #tpu.memory_space<hbm>>) dst(%arg19 : memref<1600xf32, #tpu.memory_space<vmem>>)
      %gt3A_156 = arith.constant 0 : i32
      %gt3A_157 = arith.cmpi sgt, %scan3A_117, %gt3A_156 : i32
      %convert_element_type3A_158 = arith.extui %gt3A_157 : i1 to i32
      %cond3A_159 = arith.constant 0 : i32
      %cond3A_160 = arith.cmpi ne, %convert_element_type3A_158, %cond3A_159 : i32
      scf.if %cond3A_160 {
        %dma_wait3A_171 = arith.constant 0 : i32
        %dma_wait3A_172 = tpu.memref_slice %arg25[%dma_wait3A_171] : memref<102400xf32, #tpu.memory_space<vmem_shared>> -> memref<102400xf32, #tpu.memory_space<vmem_shared>>
        tpu.wait_indirect_dma semaphore(%arg29 : memref<!tpu.dma_semaphore, #tpu.memory_space<semaphore_mem>>) src(%arg23 : memref<1600xf32, #tpu.memory_space<vmem>>) dst(%dma_wait3A_172 : memref<102400xf32, #tpu.memory_space<vmem_shared>>)
      } else {
      }
      %parallel_loop3A_161 = arith.constant 0 : i32
      %parallel_loop3A_162 = arith.constant 1600 : i32
      %parallel_loop3A_163 = arith.constant 16 : i32
      scf.for %parallel_loop3A_171 = %parallel_loop3A_161 to %parallel_loop3A_162 step %parallel_loop3A_163  : i32 {
        %parallel_loop3A_172 = arith.index_cast %parallel_loop3A_171 : i32 to index
        %parallel_loop3A_173 = tpu.vector_load %arg16[%parallel_loop3A_172] {strides = array<i32>} : memref<1600xi32, #tpu.memory_space<vmem>>, vector<16xi32>,
        %parallel_loop3A_174 = arith.index_cast %parallel_loop3A_171 : i32 to index
        %parallel_loop3A_175 = tpu.vector_load %arg22[%parallel_loop3A_174] {strides = array<i32>} : memref<1600xi32, #tpu.memory_space<vmem>>, vector<16xi32>,
        tpu.vector_store %arg22[%parallel_loop3A_174], %parallel_loop3A_173 {strides = array<i32>} : memref<1600xi32, #tpu.memory_space<vmem>>, vector<16xi32>,
        %parallel_loop3A_176 = arith.index_cast %parallel_loop3A_171 : i32 to index
        %parallel_loop3A_177 = tpu.vector_load %arg17[%parallel_loop3A_176] {strides = array<i32>} : memref<1600xi32, #tpu.memory_space<vmem>>, vector<16xi32>,
        %parallel_loop3A_178 = arith.index_cast %parallel_loop3A_171 : i32 to index
        %parallel_loop3A_179 = tpu.vector_load %arg18[%parallel_loop3A_178] {strides = array<i32>} : memref<1600xf32, #tpu.memory_space<vmem>>, vector<16xf32>,
        %parallel_loop3A_180 = arith.index_cast %parallel_loop3A_171 : i32 to index
        %parallel_loop3A_181 = tpu.vector_load %arg19[%parallel_loop3A_180] {strides = array<i32>} : memref<1600xf32, #tpu.memory_space<vmem>>, vector<16xf32>,
        %parallel_loop3A_182 = tpu.vector_load_idx %arg10[%parallel_loop3A_173] : memref<100000xi32, #tpu.memory_space<vmem>>[vector<16xi32>], vector<16xi32>,
        %parallel_loop3A_183 = tpu.vector_load_idx %arg10[%parallel_loop3A_177] : memref<100000xi32, #tpu.memory_space<vmem>>[vector<16xi32>], vector<16xi32>,
        %parallel_loop3A_184 = arith.andi %parallel_loop3A_182, %broadcast_in_dim3A_3 : vector<16xi32>
        %parallel_loop3A_185 = vector.bitcast %parallel_loop3A_184 : vector<16xi32> to vector<16xf32>
        %parallel_loop3A_186 = arith.andi %parallel_loop3A_183, %broadcast_in_dim3A_3 : vector<16xi32>
        %parallel_loop3A_187 = vector.bitcast %parallel_loop3A_186 : vector<16xi32> to vector<16xf32>
        %parallel_loop3A_188 = arith.constant 16 : i32
        %parallel_loop3A_189 = vector.broadcast %parallel_loop3A_188 : i32 to vector<16xi32>
        %parallel_loop3A_190 = arith.shli %parallel_loop3A_183, %parallel_loop3A_189 : vector<16xi32>
        %parallel_loop3A_191 = vector.bitcast %parallel_loop3A_190 : vector<16xi32> to vector<16xf32>
        %parallel_loop3A_192 = arith.addf %parallel_loop3A_185, %parallel_loop3A_187 : vector<16xf32>
        %parallel_loop3A_193 = arith.mulf %parallel_loop3A_179, %parallel_loop3A_192 : vector<16xf32>
        %parallel_loop3A_194 = arith.mulf %parallel_loop3A_193, %get3A_34 : vector<16xf32>
        %parallel_loop3A_195 = arith.mulf %parallel_loop3A_194, %get3A_38 : vector<16xf32>
        %parallel_loop3A_196 = math.exp %parallel_loop3A_195 : vector<16xf32>
        %parallel_loop3A_197 = arith.mulf %get3A_54, %parallel_loop3A_196 : vector<16xf32>
        %parallel_loop3A_198 = arith.mulf %parallel_loop3A_194, %get3A_42 : vector<16xf32>
        %parallel_loop3A_199 = math.exp %parallel_loop3A_198 : vector<16xf32>
        %parallel_loop3A_200 = arith.mulf %get3A_58, %parallel_loop3A_199 : vector<16xf32>
        %parallel_loop3A_201 = arith.addf %parallel_loop3A_197, %parallel_loop3A_200 : vector<16xf32>
        %parallel_loop3A_202 = arith.mulf %parallel_loop3A_194, %get3A_46 : vector<16xf32>
        %parallel_loop3A_203 = math.exp %parallel_loop3A_202 : vector<16xf32>
        %parallel_loop3A_204 = arith.mulf %get3A_62, %parallel_loop3A_203 : vector<16xf32>
        %parallel_loop3A_205 = arith.addf %parallel_loop3A_201, %parallel_loop3A_204 : vector<16xf32>
        %parallel_loop3A_206 = arith.mulf %parallel_loop3A_194, %get3A_50 : vector<16xf32>
        %parallel_loop3A_207 = math.exp %parallel_loop3A_206 : vector<16xf32>
        %parallel_loop3A_208 = arith.mulf %get3A_66, %parallel_loop3A_207 : vector<16xf32>
        %parallel_loop3A_209 = arith.addf %parallel_loop3A_205, %parallel_loop3A_208 : vector<16xf32>
        %parallel_loop3A_210 = arith.mulf %parallel_loop3A_191, %parallel_loop3A_181 : vector<16xf32>
        %parallel_loop3A_211 = arith.mulf %parallel_loop3A_210, %parallel_loop3A_209 : vector<16xf32>
        %parallel_loop3A_212 = arith.divf %parallel_loop3A_211, %parallel_loop3A_179 : vector<16xf32>
        %parallel_loop3A_213 = arith.index_cast %parallel_loop3A_171 : i32 to index
        %parallel_loop3A_214 = tpu.vector_load %arg23[%parallel_loop3A_213] {strides = array<i32>} : memref<1600xf32, #tpu.memory_space<vmem>>, vector<16xf32>,
        tpu.vector_store %arg23[%parallel_loop3A_213], %parallel_loop3A_212 {strides = array<i32>} : memref<1600xf32, #tpu.memory_space<vmem>>, vector<16xf32>,
      } {sc.loop_unroll_factor = 5 : i64, sc.parallel_access}
      %dma_start3A_164 = arith.constant 0 : i32
      %dma_start3A_165 = tpu.memref_slice %arg25[%dma_start3A_164] : memref<102400xf32, #tpu.memory_space<vmem_shared>> -> memref<102400xf32, #tpu.memory_space<vmem_shared>>
      tpu.enqueue_indirect_dma source(%arg23 : memref<1600xf32, #tpu.memory_space<vmem>>) target(%dma_start3A_165 : memref<102400xf32, #tpu.memory_space<vmem_shared>>) offsets(%arg22 : memref<1600xi32, #tpu.memory_space<vmem>>) semaphore(%arg29 : memref<!tpu.dma_semaphore, #tpu.memory_space<semaphore_mem>>) {add = true}
      %lt3A_166 = arith.constant 30 : i32
      %lt3A_167 = arith.cmpi slt, %scan3A_117, %lt3A_166 : i32
      %convert_element_type3A_168 = arith.extui %lt3A_167 : i1 to i32
      %cond3A_169 = arith.constant 0 : i32
      %cond3A_170 = arith.cmpi ne, %convert_element_type3A_168, %cond3A_169 : i32
      scf.if %cond3A_170 {
        %add3A_171 = arith.constant 3200 : i32
        %add3A_172 = arith.addi %add3A_124, %add3A_171 : i32
        %dma_start3A_173 = tpu.memref_slice %arg4[%add3A_172] : memref<3200000xi32, #tpu.memory_space<hbm>> -> memref<1600xi32, #tpu.memory_space<hbm>>
        %dma_start3A_174 = tpu.memref_slice %arg4[%add3A_172] : memref<3200000xi32, #tpu.memory_space<hbm>> -> memref<1600xi32, #tpu.memory_space<hbm>>
        tpu.enqueue_dma source(%dma_start3A_174 : memref<1600xi32, #tpu.memory_space<hbm>>) target(%arg16 : memref<1600xi32, #tpu.memory_space<vmem>>) target_semaphore(%arg27 : memref<!tpu.dma_semaphore, #tpu.memory_space<semaphore_mem>>)
        %dma_start3A_175 = tpu.memref_slice %arg5[%add3A_172] : memref<3200000xi32, #tpu.memory_space<hbm>> -> memref<1600xi32, #tpu.memory_space<hbm>>
        %dma_start3A_176 = tpu.memref_slice %arg5[%add3A_172] : memref<3200000xi32, #tpu.memory_space<hbm>> -> memref<1600xi32, #tpu.memory_space<hbm>>
        tpu.enqueue_dma source(%dma_start3A_176 : memref<1600xi32, #tpu.memory_space<hbm>>) target(%arg17 : memref<1600xi32, #tpu.memory_space<vmem>>) target_semaphore(%arg27 : memref<!tpu.dma_semaphore, #tpu.memory_space<semaphore_mem>>)
        %dma_start3A_177 = tpu.memref_slice %arg6[%add3A_172] : memref<3200000xf32, #tpu.memory_space<hbm>> -> memref<1600xf32, #tpu.memory_space<hbm>>
        %dma_start3A_178 = tpu.memref_slice %arg6[%add3A_172] : memref<3200000xf32, #tpu.memory_space<hbm>> -> memref<1600xf32, #tpu.memory_space<hbm>>
        tpu.enqueue_dma source(%dma_start3A_178 : memref<1600xf32, #tpu.memory_space<hbm>>) target(%arg18 : memref<1600xf32, #tpu.memory_space<vmem>>) target_semaphore(%arg27 : memref<!tpu.dma_semaphore, #tpu.memory_space<semaphore_mem>>)
        %dma_start3A_179 = tpu.memref_slice %arg7[%add3A_172] : memref<3200000xf32, #tpu.memory_space<hbm>> -> memref<1600xf32, #tpu.memory_space<hbm>>
        %dma_start3A_180 = tpu.memref_slice %arg7[%add3A_172] : memref<3200000xf32, #tpu.memory_space<hbm>> -> memref<1600xf32, #tpu.memory_space<hbm>>
        tpu.enqueue_dma source(%dma_start3A_180 : memref<1600xf32, #tpu.memory_space<hbm>>) target(%arg19 : memref<1600xf32, #tpu.memory_space<vmem>>) target_semaphore(%arg27 : memref<!tpu.dma_semaphore, #tpu.memory_space<semaphore_mem>>)
      } else {
      }
    }
    %scan3A_71 = arith.constant 31 : i32
    %add3A_72 = arith.constant 99200 : i32
    %add3A_73 = arith.addi %add3A, %add3A_72 : i32
    %dma_wait3A_74 = arith.constant 0 : i32
    %dma_wait3A_75 = tpu.memref_slice %arg12[%dma_wait3A_74] : memref<1600xi32, #tpu.memory_space<vmem>> -> memref<800xi32, #tpu.memory_space<vmem>>
    %dma_wait3A_76 = tpu.memref_slice %arg4[%add3A_73] : memref<3200000xi32, #tpu.memory_space<hbm>> -> memref<800xi32, #tpu.memory_space<hbm>>
    %dma_wait3A_77 = arith.constant 0 : i32
    %dma_wait3A_78 = tpu.memref_slice %arg12[%dma_wait3A_77] : memref<1600xi32, #tpu.memory_space<vmem>> -> memref<800xi32, #tpu.memory_space<vmem>>
    %dma_wait3A_79 = tpu.memref_slice %arg4[%add3A_73] : memref<3200000xi32, #tpu.memory_space<hbm>> -> memref<800xi32, #tpu.memory_space<hbm>>
    tpu.wait_dma2 semaphore(%arg26 : memref<!tpu.dma_semaphore, #tpu.memory_space<semaphore_mem>>) src(%dma_wait3A_79 : memref<800xi32, #tpu.memory_space<hbm>>) dst(%dma_wait3A_78 : memref<800xi32, #tpu.memory_space<vmem>>)
    %dma_wait3A_80 = arith.constant 0 : i32
    %dma_wait3A_81 = tpu.memref_slice %arg13[%dma_wait3A_80] : memref<1600xi32, #tpu.memory_space<vmem>> -> memref<800xi32, #tpu.memory_space<vmem>>
    %dma_wait3A_82 = tpu.memref_slice %arg5[%add3A_73] : memref<3200000xi32, #tpu.memory_space<hbm>> -> memref<800xi32, #tpu.memory_space<hbm>>
    %dma_wait3A_83 = arith.constant 0 : i32
    %dma_wait3A_84 = tpu.memref_slice %arg13[%dma_wait3A_83] : memref<1600xi32, #tpu.memory_space<vmem>> -> memref<800xi32, #tpu.memory_space<vmem>>
    %dma_wait3A_85 = tpu.memref_slice %arg5[%add3A_73] : memref<3200000xi32, #tpu.memory_space<hbm>> -> memref<800xi32, #tpu.memory_space<hbm>>
    tpu.wait_dma2 semaphore(%arg26 : memref<!tpu.dma_semaphore, #tpu.memory_space<semaphore_mem>>) src(%dma_wait3A_85 : memref<800xi32, #tpu.memory_space<hbm>>) dst(%dma_wait3A_84 : memref<800xi32, #tpu.memory_space<vmem>>)
    %dma_wait3A_86 = arith.constant 0 : i32
    %dma_wait3A_87 = tpu.memref_slice %arg14[%dma_wait3A_86] : memref<1600xf32, #tpu.memory_space<vmem>> -> memref<800xf32, #tpu.memory_space<vmem>>
    %dma_wait3A_88 = tpu.memref_slice %arg6[%add3A_73] : memref<3200000xf32, #tpu.memory_space<hbm>> -> memref<800xf32, #tpu.memory_space<hbm>>
    %dma_wait3A_89 = arith.constant 0 : i32
    %dma_wait3A_90 = tpu.memref_slice %arg14[%dma_wait3A_89] : memref<1600xf32, #tpu.memory_space<vmem>> -> memref<800xf32, #tpu.memory_space<vmem>>
    %dma_wait3A_91 = tpu.memref_slice %arg6[%add3A_73] : memref<3200000xf32, #tpu.memory_space<hbm>> -> memref<800xf32, #tpu.memory_space<hbm>>
    tpu.wait_dma2 semaphore(%arg26 : memref<!tpu.dma_semaphore, #tpu.memory_space<semaphore_mem>>) src(%dma_wait3A_91 : memref<800xf32, #tpu.memory_space<hbm>>) dst(%dma_wait3A_90 : memref<800xf32, #tpu.memory_space<vmem>>)
    %dma_wait3A_92 = arith.constant 0 : i32
    %dma_wait3A_93 = tpu.memref_slice %arg15[%dma_wait3A_92] : memref<1600xf32, #tpu.memory_space<vmem>> -> memref<800xf32, #tpu.memory_space<vmem>>
    %dma_wait3A_94 = tpu.memref_slice %arg7[%add3A_73] : memref<3200000xf32, #tpu.memory_space<hbm>> -> memref<800xf32, #tpu.memory_space<hbm>>
    %dma_wait3A_95 = arith.constant 0 : i32
    %dma_wait3A_96 = tpu.memref_slice %arg15[%dma_wait3A_95] : memref<1600xf32, #tpu.memory_space<vmem>> -> memref<800xf32, #tpu.memory_space<vmem>>
    %dma_wait3A_97 = tpu.memref_slice %arg7[%add3A_73] : memref<3200000xf32, #tpu.memory_space<hbm>> -> memref<800xf32, #tpu.memory_space<hbm>>
    tpu.wait_dma2 semaphore(%arg26 : memref<!tpu.dma_semaphore, #tpu.memory_space<semaphore_mem>>) src(%dma_wait3A_97 : memref<800xf32, #tpu.memory_space<hbm>>) dst(%dma_wait3A_96 : memref<800xf32, #tpu.memory_space<vmem>>)
    %dma_wait3A_98 = arith.constant 0 : i32
    %dma_wait3A_99 = tpu.memref_slice %arg25[%dma_wait3A_98] : memref<102400xf32, #tpu.memory_space<vmem_shared>> -> memref<102400xf32, #tpu.memory_space<vmem_shared>>
    tpu.wait_indirect_dma semaphore(%arg28 : memref<!tpu.dma_semaphore, #tpu.memory_space<semaphore_mem>>) src(%arg21 : memref<1600xf32, #tpu.memory_space<vmem>>) dst(%dma_wait3A_99 : memref<102400xf32, #tpu.memory_space<vmem_shared>>)
    %parallel_loop3A = arith.constant 0 : i32
    %parallel_loop3A_100 = arith.constant 800 : i32
    %parallel_loop3A_101 = arith.constant 16 : i32
    scf.for %parallel_loop3A_117 = %parallel_loop3A to %parallel_loop3A_100 step %parallel_loop3A_101  : i32 {
      %parallel_loop3A_118 = arith.index_cast %parallel_loop3A_117 : i32 to index
      %parallel_loop3A_119 = tpu.vector_load %arg12[%parallel_loop3A_118] {strides = array<i32>} : memref<1600xi32, #tpu.memory_space<vmem>>, vector<16xi32>,
      %parallel_loop3A_120 = arith.index_cast %parallel_loop3A_117 : i32 to index
      %parallel_loop3A_121 = tpu.vector_load %arg24[%parallel_loop3A_120] {strides = array<i32>} : memref<800xi32, #tpu.memory_space<vmem>>, vector<16xi32>,
      tpu.vector_store %arg24[%parallel_loop3A_120], %parallel_loop3A_119 {strides = array<i32>} : memref<800xi32, #tpu.memory_space<vmem>>, vector<16xi32>,
      %parallel_loop3A_122 = arith.index_cast %parallel_loop3A_117 : i32 to index
      %parallel_loop3A_123 = tpu.vector_load %arg13[%parallel_loop3A_122] {strides = array<i32>} : memref<1600xi32, #tpu.memory_space<vmem>>, vector<16xi32>,
      %parallel_loop3A_124 = arith.index_cast %parallel_loop3A_117 : i32 to index
      %parallel_loop3A_125 = tpu.vector_load %arg14[%parallel_loop3A_124] {strides = array<i32>} : memref<1600xf32, #tpu.memory_space<vmem>>, vector<16xf32>,
      %parallel_loop3A_126 = arith.index_cast %parallel_loop3A_117 : i32 to index
      %parallel_loop3A_127 = tpu.vector_load %arg15[%parallel_loop3A_126] {strides = array<i32>} : memref<1600xf32, #tpu.memory_space<vmem>>, vector<16xf32>,
      %parallel_loop3A_128 = tpu.vector_load_idx %arg10[%parallel_loop3A_119] : memref<100000xi32, #tpu.memory_space<vmem>>[vector<16xi32>], vector<16xi32>,
      %parallel_loop3A_129 = tpu.vector_load_idx %arg10[%parallel_loop3A_123] : memref<100000xi32, #tpu.memory_space<vmem>>[vector<16xi32>], vector<16xi32>,
      %parallel_loop3A_130 = arith.andi %parallel_loop3A_128, %broadcast_in_dim3A_3 : vector<16xi32>
      %parallel_loop3A_131 = vector.bitcast %parallel_loop3A_130 : vector<16xi32> to vector<16xf32>
      %parallel_loop3A_132 = arith.andi %parallel_loop3A_129, %broadcast_in_dim3A_3 : vector<16xi32>
      %parallel_loop3A_133 = vector.bitcast %parallel_loop3A_132 : vector<16xi32> to vector<16xf32>
      %parallel_loop3A_134 = arith.constant 16 : i32
      %parallel_loop3A_135 = vector.broadcast %parallel_loop3A_134 : i32 to vector<16xi32>
      %parallel_loop3A_136 = arith.shli %parallel_loop3A_129, %parallel_loop3A_135 : vector<16xi32>
      %parallel_loop3A_137 = vector.bitcast %parallel_loop3A_136 : vector<16xi32> to vector<16xf32>
      %parallel_loop3A_138 = arith.addf %parallel_loop3A_131, %parallel_loop3A_133 : vector<16xf32>
      %parallel_loop3A_139 = arith.mulf %parallel_loop3A_125, %parallel_loop3A_138 : vector<16xf32>
      %parallel_loop3A_140 = arith.mulf %parallel_loop3A_139, %get3A_34 : vector<16xf32>
      %parallel_loop3A_141 = arith.mulf %parallel_loop3A_140, %get3A_38 : vector<16xf32>
      %parallel_loop3A_142 = math.exp %parallel_loop3A_141 : vector<16xf32>
      %parallel_loop3A_143 = arith.mulf %get3A_54, %parallel_loop3A_142 : vector<16xf32>
      %parallel_loop3A_144 = arith.mulf %parallel_loop3A_140, %get3A_42 : vector<16xf32>
      %parallel_loop3A_145 = math.exp %parallel_loop3A_144 : vector<16xf32>
      %parallel_loop3A_146 = arith.mulf %get3A_58, %parallel_loop3A_145 : vector<16xf32>
      %parallel_loop3A_147 = arith.addf %parallel_loop3A_143, %parallel_loop3A_146 : vector<16xf32>
      %parallel_loop3A_148 = arith.mulf %parallel_loop3A_140, %get3A_46 : vector<16xf32>
      %parallel_loop3A_149 = math.exp %parallel_loop3A_148 : vector<16xf32>
      %parallel_loop3A_150 = arith.mulf %get3A_62, %parallel_loop3A_149 : vector<16xf32>
      %parallel_loop3A_151 = arith.addf %parallel_loop3A_147, %parallel_loop3A_150 : vector<16xf32>
      %parallel_loop3A_152 = arith.mulf %parallel_loop3A_140, %get3A_50 : vector<16xf32>
      %parallel_loop3A_153 = math.exp %parallel_loop3A_152 : vector<16xf32>
      %parallel_loop3A_154 = arith.mulf %get3A_66, %parallel_loop3A_153 : vector<16xf32>
      %parallel_loop3A_155 = arith.addf %parallel_loop3A_151, %parallel_loop3A_154 : vector<16xf32>
      %parallel_loop3A_156 = arith.mulf %parallel_loop3A_137, %parallel_loop3A_127 : vector<16xf32>
      %parallel_loop3A_157 = arith.mulf %parallel_loop3A_156, %parallel_loop3A_155 : vector<16xf32>
      %parallel_loop3A_158 = arith.divf %parallel_loop3A_157, %parallel_loop3A_125 : vector<16xf32>
      %parallel_loop3A_159 = arith.index_cast %parallel_loop3A_117 : i32 to index
      %parallel_loop3A_160 = tpu.vector_load %arg21[%parallel_loop3A_159] {strides = array<i32>} : memref<1600xf32, #tpu.memory_space<vmem>>, vector<16xf32>,
      tpu.vector_store %arg21[%parallel_loop3A_159], %parallel_loop3A_158 {strides = array<i32>} : memref<1600xf32, #tpu.memory_space<vmem>>, vector<16xf32>,
    } {sc.loop_unroll_factor = 5 : i64, sc.parallel_access}
    %dma_start3A_102 = arith.constant 0 : i32
    %dma_start3A_103 = tpu.memref_slice %arg21[%dma_start3A_102] : memref<1600xf32, #tpu.memory_space<vmem>> -> memref<800xf32, #tpu.memory_space<vmem>>
    %dma_start3A_104 = arith.constant 0 : i32
    %dma_start3A_105 = tpu.memref_slice %arg25[%dma_start3A_104] : memref<102400xf32, #tpu.memory_space<vmem_shared>> -> memref<102400xf32, #tpu.memory_space<vmem_shared>>
    tpu.enqueue_indirect_dma source(%dma_start3A_103 : memref<800xf32, #tpu.memory_space<vmem>>) target(%dma_start3A_105 : memref<102400xf32, #tpu.memory_space<vmem_shared>>) offsets(%arg24 : memref<800xi32, #tpu.memory_space<vmem>>) semaphore(%arg28 : memref<!tpu.dma_semaphore, #tpu.memory_space<semaphore_mem>>) {add = true}
    %dma_wait3A_106 = arith.constant 0 : i32
    %dma_wait3A_107 = tpu.memref_slice %arg21[%dma_wait3A_106] : memref<1600xf32, #tpu.memory_space<vmem>> -> memref<800xf32, #tpu.memory_space<vmem>>
    %dma_wait3A_108 = arith.constant 0 : i32
    %dma_wait3A_109 = tpu.memref_slice %arg25[%dma_wait3A_108] : memref<102400xf32, #tpu.memory_space<vmem_shared>> -> memref<102400xf32, #tpu.memory_space<vmem_shared>>
    tpu.wait_indirect_dma semaphore(%arg28 : memref<!tpu.dma_semaphore, #tpu.memory_space<semaphore_mem>>) src(%dma_wait3A_107 : memref<800xf32, #tpu.memory_space<vmem>>) dst(%dma_wait3A_109 : memref<102400xf32, #tpu.memory_space<vmem_shared>>)
    %dma_wait3A_110 = arith.constant 0 : i32
    %dma_wait3A_111 = tpu.memref_slice %arg25[%dma_wait3A_110] : memref<102400xf32, #tpu.memory_space<vmem_shared>> -> memref<102400xf32, #tpu.memory_space<vmem_shared>>
    tpu.wait_indirect_dma semaphore(%arg29 : memref<!tpu.dma_semaphore, #tpu.memory_space<semaphore_mem>>) src(%arg23 : memref<1600xf32, #tpu.memory_space<vmem>>) dst(%dma_wait3A_111 : memref<102400xf32, #tpu.memory_space<vmem_shared>>)
    %barrier3A_112 = arith.constant 0 : index
    tpu.barrier barrier_id(%barrier3A_112)
    %mul3A_113 = arith.constant 6400 : i32
    %mul3A_114 = arith.muli %arg1, %mul3A_113 : i32
    %mul3A_115 = arith.constant 6400 : i32
    %mul3A_116 = arith.muli %arg1, %mul3A_115 : i32
    "tpu.region"() ({
      %run_scoped3A = tpu.sem_alloc : memref<!tpu.dma_semaphore, #tpu.memory_space<semaphore_mem>>
      %dma_start3A_117 = tpu.memref_slice %arg9[%arg0, %mul3A_116] : memref<2x102400xf32, #tpu.memory_space<hbm>> -> memref<1x6400xf32, #tpu.memory_space<hbm>>
      %dma_start3A_118 = tpu.memref_squeeze %dma_start3A_117 : memref<1x6400xf32, #tpu.memory_space<hbm>> -> memref<6400xf32, #tpu.memory_space<hbm>>
      %dma_start3A_119 = tpu.memref_slice %arg25[%mul3A_114] : memref<102400xf32, #tpu.memory_space<vmem_shared>> -> memref<6400xf32, #tpu.memory_space<vmem_shared>>
      tpu.enqueue_dma source(%dma_start3A_119 : memref<6400xf32, #tpu.memory_space<vmem_shared>>) target(%dma_start3A_118 : memref<6400xf32, #tpu.memory_space<hbm>>) target_semaphore(%run_scoped3A : memref<!tpu.dma_semaphore, #tpu.memory_space<semaphore_mem>>)
      %dma_wait3A_120 = tpu.memref_slice %arg9[%arg0, %mul3A_116] : memref<2x102400xf32, #tpu.memory_space<hbm>> -> memref<1x6400xf32, #tpu.memory_space<hbm>>
      %dma_wait3A_121 = tpu.memref_squeeze %dma_wait3A_120 : memref<1x6400xf32, #tpu.memory_space<hbm>> -> memref<6400xf32, #tpu.memory_space<hbm>>
      %dma_wait3A_122 = tpu.memref_slice %arg25[%mul3A_114] : memref<102400xf32, #tpu.memory_space<vmem_shared>> -> memref<6400xf32, #tpu.memory_space<vmem_shared>>
      tpu.wait_dma2 semaphore(%run_scoped3A : memref<!tpu.dma_semaphore, #tpu.memory_space<semaphore_mem>>) src(%dma_wait3A_122 : memref<6400xf32, #tpu.memory_space<vmem_shared>>) dst(%dma_wait3A_121 : memref<6400xf32, #tpu.memory_space<hbm>>)
      tpu.yield
    }) : () -> ()
    return
  }
}

module attributes {stable_mosaic.version = 14 : i64} {
  func.func @_pack_body(%arg0: memref<1x1xf32, #tpu.memory_space<smem>>, %arg1: memref<800x128xf32, #tpu.memory_space<vmem>>, %arg2: memref<800x128xi32, #tpu.memory_space<vmem>>) attributes {dimension_semantics = [], scalar_prefetch = 0 : i64, scratch_operands = 0 : i64, tpu.core_type = #tpu.core_type<tc>} {
    %get3A = arith.constant 0 : index
    %get3A_0 = arith.constant 0 : index
    %get3A_1 = vector.load %arg1[%get3A, %get3A_0] : memref<800x128xf32, #tpu.memory_space<vmem>>, vector<800x128xf32>
    %get3A_2 = arith.constant 0 : index
    %get3A_3 = arith.constant 0 : index
    %get3A_4 = memref.load %arg0[%get3A_2, %get3A_3] : memref<1x1xf32, #tpu.memory_space<smem>>
    %log3A = math.log %get3A_1 : vector<800x128xf32>
    %mul3A = vector.broadcast %get3A_4 : f32 to vector<800x128xf32>
    %mul3A_5 = arith.mulf %mul3A, %log3A : vector<800x128xf32>
    %exp3A = math.exp %mul3A_5 : vector<800x128xf32>
    %convert_element_type3A = arith.truncf %exp3A : vector<800x128xf32> to vector<800x128xbf16>
    %bitcast_convert_type3A = tpu.bitcast %convert_element_type3A : vector<800x128xbf16> -> vector<800x128xi16>
    %convert_element_type3A_6 = arith.extui %bitcast_convert_type3A : vector<800x128xi16> to vector<800x128xi32>
    %shift_left3A = arith.constant 16 : i32
    %shift_left3A_7 = vector.broadcast %shift_left3A : i32 to vector<800x128xi32>
    %shift_left3A_8 = arith.shli %convert_element_type3A_6, %shift_left3A_7 : vector<800x128xi32>
    %convert_element_type3A_9 = arith.truncf %get3A_1 : vector<800x128xf32> to vector<800x128xbf16>
    %bitcast_convert_type3A_10 = tpu.bitcast %convert_element_type3A_9 : vector<800x128xbf16> -> vector<800x128xi16>
    %convert_element_type3A_11 = arith.extui %bitcast_convert_type3A_10 : vector<800x128xi16> to vector<800x128xi32>
    %or3A = arith.ori %shift_left3A_8, %convert_element_type3A_11 : vector<800x128xi32>
    %bitcast_convert_type3A_12 = tpu.bitcast %or3A : vector<800x128xi32> -> vector<800x128xi32>
    %swap3A = arith.constant 0 : index
    %swap3A_13 = arith.constant 0 : index
    %swap3A_14 = vector.load %arg2[%swap3A, %swap3A_13] : memref<800x128xi32, #tpu.memory_space<vmem>>, vector<800x128xi32>
    tpu.vector_store %arg2[%swap3A, %swap3A_13], %bitcast_convert_type3A_12 {strides = array<i32>} : memref<800x128xi32, #tpu.memory_space<vmem>>, vector<800x128xi32>,
    return
  }
}

module attributes {stable_mosaic.version = 14 : i64} {
  func.func @_finish_body(%arg0: memref<800x128xf32, #tpu.memory_space<vmem>>, %arg1: memref<2x800x128xf32, #tpu.memory_space<vmem>>, %arg2: memref<800x128xf32, #tpu.memory_space<vmem>>) attributes {dimension_semantics = [], scalar_prefetch = 0 : i64, scratch_operands = 0 : i64, tpu.core_type = #tpu.core_type<tc>} {
    %get3A = arith.constant 0 : index
    %get3A_0 = arith.constant 0 : index
    %get3A_1 = vector.load %arg0[%get3A, %get3A_0] : memref<800x128xf32, #tpu.memory_space<vmem>>, vector<800x128xf32>
    %mul3A = arith.constant 14.3996458 : f32
    %mul3A_2 = vector.broadcast %mul3A : f32 to vector<800x128xf32>
    %mul3A_3 = arith.mulf %mul3A_2, %get3A_1 : vector<800x128xf32>
    %get3A_4 = arith.constant 0 : index
    %get3A_5 = arith.constant 0 : index
    %get3A_6 = arith.constant 0 : index
    %get3A_7 = vector.load %arg1[%get3A_4, %get3A_5, %get3A_6] : memref<2x800x128xf32, #tpu.memory_space<vmem>>, vector<1x800x128xf32>
    %get3A_8 = vector.shape_cast %get3A_7 : vector<1x800x128xf32> to vector<800x128xf32>
    %get3A_9 = arith.constant 1 : index
    %get3A_10 = arith.constant 0 : index
    %get3A_11 = arith.constant 0 : index
    %get3A_12 = vector.load %arg1[%get3A_9, %get3A_10, %get3A_11] : memref<2x800x128xf32, #tpu.memory_space<vmem>>, vector<1x800x128xf32>
    %get3A_13 = vector.shape_cast %get3A_12 : vector<1x800x128xf32> to vector<800x128xf32>
    %add3A = arith.addf %get3A_8, %get3A_13 : vector<800x128xf32>
    %mul3A_14 = arith.mulf %mul3A_3, %add3A : vector<800x128xf32>
    %swap3A = arith.constant 0 : index
    %swap3A_15 = arith.constant 0 : index
    %swap3A_16 = vector.load %arg2[%swap3A, %swap3A_15] : memref<800x128xf32, #tpu.memory_space<vmem>>, vector<800x128xf32>
    tpu.vector_store %arg2[%swap3A, %swap3A_15], %mul3A_14 {strides = array<i32>} : memref<800x128xf32, #tpu.memory_space<vmem>>, vector<800x128xf32>,
    return
  }
}

</mosaic_0001>

<sc_bundles>
// kernel: kernel.5.cloned.1.call-start
scs
__scs_entry_jumppad:
0x0: {  	(pc) =	sbr.rel $0x88, $3  }
0x1: {  	(tag) =	ssettag $0x0;
	lr =	simm.s32 $0x1  }
0x2: {  	[smem:$0x3F98] =	sst lr;
	_ =	strace $0xD0000000  }
0x3: {  	_ = 	snop  }
0x4: {  	_ = 	snop  }
0x5: {  	_ = 	snop  }
0x6: {  	_ = 	snop  }
0x7: {  	_ = 	snop  }
__scs_overlays_trampoline_lowered:
0x8: {  	[smem:$0x3FA7] =	sst s0  }
0x9: {  	[smem:$0x3FA8] =	sst s1  }
0xa: {  	[smem:$0x3FA9] =	sst s2  }
0xb: {  	[smem:$0x3FAA] =	sst s3  }
0xc: {  	[smem:$0x3FAB] =	sst s4  }
0xd: {  	[smem:$0x3FAC] =	sst s5  }
0xe: {  	[smem:$0x3FAD] =	sst s6  }
0xf: {  	[smem:$0x3FAE] =	sst s7  }
0x10: {  	[smem:$0x3FAF] =	sst s8  }
0x11: {  	[smem:$0x3FB0] =	sst s9;
	s0 =	simm.s32 @!p0 $0x0  }
0x12: {  	s1 =	sld [smem:$0x3F96];
	s0 =	simm.s32 @p0 $0x1  }
0x13: {  	[smem:$0x3FB1] =	sst s0;
	s0 =	simm.s32 @!p1 $0x0  }
0x14: {  	s2 =	sld [smem:$0x3F95];
	s0 =	simm.s32 @p1 $0x1  }
0x15: {  	[smem:$0x3FB2] =	sst s0;
	s0 =	simm.s32 @!p2 $0x0  }
0x16: {  	s3 =	sld [smem:$0x3FDB];
	s0 =	simm.s32 @p2 $0x1  }
0x17: {  	s4 =	simm.s32 $0x1BF5;
	[smem:$0x3FB4] =	sst s0  }
0x18: {  	s0 =	sld [smem:$0x3F97];
	_ =	swait.ge [sflag:s4], $0x0  }
0x19: {  	s7 =	sld [smem:$0x3F98]  }
0x1a: {  	s8 =	sadd.s32 $0xFFFFE003, lr  }
0x1b: {  	s9 =	sadd.s32 $0xFFFFFEF7, lr;
	s5 =	simm.s32 $0xFFFFFFFF;
	p2 =	slt.u32 s8, $0xFFFFF086  }
0x1c: {  	p1 =	slt.u32 s9, $0xF7A;
	s5 =	simm.s32 @!p2 $0x0  }
0x1d: {  	s5 =	simm.s32 @p1 $0x1;
	p0 =	seq.s32 s7, s2  }
0x1e: {  	s7 =	smul.u32 @!p0 $0xF7A, s2;
	p2 =	seq.s32 @!p0 s5, $0x0  }
0x1f: {  	s9 =	smul.u32 $0xF7A, s1;
	s8 =	simm.s32 @!p0 $0x1BF5;
	p2 =	por !p2, p0  }
0x20: {  	[sflag:s8] =	ssyncset.s32 @!p0 $0xFFFFF086;
	s6 =	sadd.s32 @!p0 s3, s7;
	s7 =	simm.s32 @!p0 $0x108  }
0x21: {  	s3 =	sadd.s32 s3, s9;
	s6 =	sadd.s32 @!p0 $0x88, s6;
	s7 =	simm.s32 @p2 $0x1082  }
0x22: {  	[simem:s7], [sflag:s8] =	dma.local @!p0 [hbm:s6], $0xF7A  }
0x23: {  	s9 =	sor.u32 $0xD0000000, s2;
	s6 =	simm.s32 $0x108;
	_ =	swait.ge @!p0 [sflag:s8], $0x0  }
0x24: {  	s3 =	sadd.s32 $0x88, s3;
	s6 =	simm.s32 @!p1 $0x1082;
	[sflag:s4] =	ssyncset.s32 $0xFFFFF086  }
0x25: {  	[simem:s6], [sflag:s4] =	dma.local [hbm:s3], $0xF7A  }
0x26: {  	[smem:$0x3F98] =	sst s1;
	(tag) =	ssettag s2;
	_ =	strace s9  }
0x27: {  	s1 =	sld [smem:$0x3FA8]  }
0x28: {  	s2 =	sld [smem:$0x3FA9]  }
0x29: {  	s4 =	sld [smem:$0x3FAB]  }
0x2a: {  	p0 =	seq.s32 s5, $0x0;
	s5 =	sld [smem:$0x3FAC]  }
0x2b: {  	s6 =	sld [smem:$0x3FAD]  }
0x2c: {  	s7 =	sld [smem:$0x3FAE]  }
0x2d: {  	s3 =	simm.s32 $0x108;
	s8 =	sld [smem:$0x3FAF]  }
0x2e: {  	s3 =	simm.s32 @!p0 $0x1082;
	s9 =	sld [smem:$0x3FB0]  }
0x2f: {  	lr =	sadd.s32 s0, s3;
	s0 =	sld [smem:$0x3FA7]  }
0x30: {  	s3 =	sld [smem:$0x3FAA]  }
0x31: {  	[smem:$0x3FB3] =	sst s10  }
0x32: {  	s10 =	sld [smem:$0x3FB1];
	_ =	sdelay $0x3  }
0x33: {  	p0 =	seq.s32 s10, $0x1;
	s10 =	sld [smem:$0x3FB3];
	_ =	sdelay $0x3  }
0x34: {  	[smem:$0x3FB3] =	sst s10  }
0x35: {  	s10 =	sld [smem:$0x3FB2];
	_ =	sdelay $0x3  }
0x36: {  	p1 =	seq.s32 s10, $0x1;
	s10 =	sld [smem:$0x3FB3];
	_ =	sdelay $0x3  }
0x37: {  	[smem:$0x3FB3] =	sst s10  }
0x38: {  	s10 =	sld [smem:$0x3FB4]  }
0x39: {  	_ = 	snop;
	(pc) =	sbr.ind lr, $3  }
0x3a: {  	_ = 	snop  }
0x3b: {  	_ = 	snop  }
0x3c: {  	p2 =	seq.s32 s10, $0x1;
	s10 =	sld [smem:$0x3FB3]  }
0x3d: {  	_ =	shalt  }
0x3e: {  	_ =	shalt  }
0x3f: {  	_ =	shalt  }
0x40: {  	_ =	shalt  }
0x41: {  	_ =	shalt  }
0x42: {  	_ =	shalt  }
0x43: {  	_ =	shalt  }
0x44: {  	_ =	shalt  }
0x45: {  	_ =	shalt  }
0x46: {  	_ =	shalt  }
0x47: {  	_ =	shalt  }
0x48: {  	_ =	shalt  }
0x49: {  	_ =	shalt  }
0x4a: {  	_ =	shalt  }
0x4b: {  	_ =	shalt  }
0x4c: {  	_ =	shalt  }
0x4d: {  	_ =	shalt  }
0x4e: {  	_ =	shalt  }
0x4f: {  	_ =	shalt  }
0x50: {  	_ =	shalt  }
0x51: {  	_ =	shalt  }
0x52: {  	_ =	shalt  }
0x53: {  	_ =	shalt  }
0x54: {  	_ =	shalt  }
0x55: {  	_ =	shalt  }
0x56: {  	_ =	shalt  }
0x57: {  	_ =	shalt  }
0x58: {  	_ =	shalt  }
0x59: {  	_ =	shalt  }
0x5a: {  	_ =	shalt  }
0x5b: {  	_ =	shalt  }
0x5c: {  	_ =	shalt  }
0x5d: {  	_ =	shalt  }
0x5e: {  	_ =	shalt  }
0x5f: {  	_ =	shalt  }
0x60: {  	_ =	shalt  }
0x61: {  	_ =	shalt  }
0x62: {  	_ =	shalt  }
0x63: {  	_ =	shalt  }
0x64: {  	_ =	shalt  }
0x65: {  	_ =	shalt  }
0x66: {  	_ =	shalt  }
0x67: {  	_ =	shalt  }
0x68: {  	_ =	shalt  }
0x69: {  	_ =	shalt  }
0x6a: {  	_ =	shalt  }
0x6b: {  	_ =	shalt  }
0x6c: {  	_ =	shalt  }
0x6d: {  	_ =	shalt  }
0x6e: {  	_ =	shalt  }
0x6f: {  	_ =	shalt  }
0x70: {  	_ =	shalt  }
0x71: {  	_ =	shalt  }
0x72: {  	_ =	shalt  }
0x73: {  	_ =	shalt  }
0x74: {  	_ =	shalt  }
0x75: {  	_ =	shalt  }
0x76: {  	_ =	shalt  }
0x77: {  	_ =	shalt  }
0x78: {  	_ =	shalt  }
0x79: {  	_ =	shalt  }
0x7a: {  	_ =	shalt  }
0x7b: {  	_ =	shalt  }
0x7c: {  	_ =	shalt  }
0x7d: {  	_ =	shalt  }
0x7e: {  	_ =	shalt  }
0x7f: {  	_ =	shalt  }
0x80: {  	_ =	shalt  }
0x81: {  	_ =	shalt  }
0x82: {  	_ =	shalt  }
0x83: {  	_ =	shalt  }
0x84: {  	_ =	shalt  }
0x85: {  	_ =	shalt  }
0x86: {  	_ =	shalt  }
0x87: {  	_ =	shalt  }
.Lfunc_end0:
.L_simem_size_0:
called_computation_lowered:
.L_overlay_start_0:
0x88: {  	s2 =	sld [smem:$0x3FD9]  }
0x89: {  	s3 =	sld [smem:$0x3FFE];
	_ =	sdelay $0x1  }
0x8a: {  	s1 =	srdreg.scid  }
0x8b: {  	s0 =	sand.u32 $0x1, s1  }
0x8c: {  	s17 =	sshll.u32 s0, $0xA;
	s2 =	sadd.s32 s3, s2  }
0x8d: {  	s2 =	sadd.s32 s2, s17  }
0x8e: {  	[smem:$0x3FBF] =	sst s2  }
0x8f: {  	_ = 	snop  }
0x90: {  	s2 =	sld [smem:$0x3FC8]  }
0x91: {  	s18 =	sld [smem:$0x3FC7]  }
0x92: {  	s4 =	sld [smem:$0x3FC6]  }
0x93: {  	s5 =	sld [smem:$0x3FC5]  }
0x94: {  	s6 =	sld [smem:$0x3FD0];
	(tm) =	ssettm $0x1  }
0x95: {  	s7 =	sld [smem:$0x3FFB];
	_ =	sdelay $0x3  }
0x96: {  	_ =	strace s7  }
0x97: {  	s7 =	sld [smem:$0x3FFC];
	_ =	sdelay $0x3  }
0x98: {  	_ =	strace s7  }
0x99: {  	s7 =	sld [smem:$0x3FFD];
	_ =	sdelay $0x3  }
0x9a: {  	_ =	strace s7  }
0x9b: {  	_ =	strace $0x8FFFFFFF  }
0x9c: {  	s19 =	sld [smem:$0x3FDB];
	_ =	sdelay $0x1  }
0x9d: {  	s8 =	simm.s32 $_scs_section_size  }
0x9e: {  	s9 =	simm.s32 $_size__tile_overlayer_lowered;
	s10 =	simm.s32 $_tile_overlayer_lowered  }
0x9f: {  	s22 =	simm.s32 $0x1BFF;
	s21 =	sshll.u32 s10, $0x1;
	s7 =	sadd.s32 s8, s19  }
0xa0: {  	s11 =	simm.s32 $0x0;
	s20 =	sshll.u32 s9, $0x1;
	s9 =	sadd.s32 s21, s7  }
0xa1: {  	[timem:s11], [sflag:s22] =	dma.local [hbm:s9], s20  }
0xa2: {  	_ =	swait.ge [sflag:s22], s20  }
0xa3: {  	s8 =	ssub.s32 $0x0, s20;
	[sflag:s22] =	ssyncset.done $0x0  }
0xa4: {  	[sflag:s22] =	ssyncadd.s32 s8;
	_ =	sdelay $0x1  }
0xa5: {  	s23 =	simm.s32 $0x1B8B  }
0xa6: {  	_ =	swait.ge [sflag:s23], $0x1  }
0xa7: {  	[sflag:s23] =	ssyncset.done $0x0  }
0xa8: {  	s25 =	simm.s32 $0x1B8E;
	s24 =	sld [smem:$0x3FFE];
	[sflag:s23] =	ssyncadd.s32 $0xFFFFFFFF  }
0xa9: {  	s26 =	simm.s32 $execute0_lowered;
	[smem:$0x3FD2] =	sst s25  }
0xaa: {  	s9 =	sshll.u32 s26, $0x1;
	_ =	strace $0x80000046;
	[dreg:$0x1] =	wrdreg $0xFFFFFFFF  }
0xab: {  	s28 =	simm.s32 $_size_execute0_lowered;
	s7 =	sadd.s32 s7, s9;
	[dreg:$0x0] =	wrdreg $0x0  }
0xac: {  	s9 =	sshll.u32 s28, $0x1;
	[dreg:$0x2] =	wrdreg s7  }
0xad: {  	[dreg:$0x3] =	wrdreg s9  }
0xae: {  	[dreg:$0x4] =	wrdreg $0xC0  }
0xaf: {  	_ =	task [dreg:s11], $0x5FFFF  }
0xb0: {  	[dreg:$0x1] =	wrdreg $0xFFFFFFFF  }
0xb1: {  	[dreg:$0x0] =	wrdreg $0x60  }
0xb2: {  	[dreg:$0x2] =	wrdreg s6  }
0xb3: {  	[dreg:$0x3] =	wrdreg s24  }
0xb4: {  	[dreg:$0x4] =	wrdreg s4  }
0xb5: {  	[dreg:$0x5] =	wrdreg s5  }
0xb6: {  	[dreg:$0x6] =	wrdreg s2  }
0xb7: {  	[dreg:$0x7] =	wrdreg s18  }
0xb8: {  	[dreg:$0x8] =	wrdreg $0x1E0800  }
0xb9: {  	[dreg:$0x9] =	wrdreg $0x9  }
0xba: {  	_ =	task.clear_ibuf [dreg:s11], $0xAFFFF;
	_ =	strace $0x90000046  }
0xbb: {  	s29 =	simm.s32 $0x9;
	_ =	strace $0x80000048  }
0xbc: {  	_ =	swait.ge [sflag:s29], $0x1  }
0xbd: {  	[sflag:s29] =	ssyncadd.s32 $0xFFFFFFFF  }
0xbe: {  	_ =	strace $0x90000048  }
0xbf: {  	_ =	sfence  }
0xc0: {  	s30 =	sld [smem:$0x0];
	_ =	sdelay $0x2  }
0xc1: {  	s31 =	sshll.u32 s1, $0xD;
	s1 =	sshrl.u32 s1, $0x2  }
0xc2: {  	s3 =	sand.u32 $0x4000, s31;
	s1 =	sadd.s32 s1, s30  }
0xc3: {  	s0 =	sor.u32 s3, s0;
	s1 =	sshll.u32 s1, $0x11  }
0xc4: {  	s0 =	sor.u32 s1, s0  }
0xc5: {  	s0 =	sadd.s32 $0x8F2B, s0  }
0xc6: {  	[sflag:s0] =	ssyncadd.remote.s32 $0x1  }
0xc7: {  	_ =	sfence.sel $0xFFFF  }
0xc8: {  	[dreg:$0x0] =	wrdreg $0xFFFFFFFF;
	(pc) =	sbr.abs _section_cstart, $3  }
0xc9: {  	[dreg:$0x1] =	wrdreg $0xFFFFFFFF  }
0xca: {  	_ =	task.clear_ibuf [dreg:s11], $0x2FFFF;
	_ =	strace $0x9FFFFFFF  }
0xcb: {  	(tm) =	ssettm $0x7FFFFFFF  }
tec
execute0_lowered:
.L_overlay_start_1:
0x0: {  	(tag) =	ssettag $0x1  }
0x1: {  	s0 =	rddreg [dreg:$0x1]  }
0x2: {  	s2 =	rddreg [dreg:$0x2]  }
0x3: {  	s3 =	rddreg [dreg:$0x3]  }
0x4: {  	s5 =	rddreg [dreg:$0x4]  }
0x5: {  	s6 =	rddreg [dreg:$0x5];
	s14 =	stileid.u32  }
0x6: {  	s7 =	rddreg [dreg:$0x6];
	s8 =	simm.s32 $0x0;
	s1 =	smul.u32 $0x1900, s14  }
0x7: {  	s4 =	srdreg.scid;
	s31 =	simm.s32 $0x1B600;
	s9 =	smul.u32 $0x3200, s14  }
0x8: {  	[smem:$0x7FF] =	sst s8;
	s4 =	sand.u32 $0x1, s4;
	s13 =	smul.u32 $0x186A0, s14  }
0x9: {  	s15 =	sadd.s32 $0x200, s0;
	s26 =	sshll.u32 s14, $0x6;
	s14 =	simm.s32 $0x1C980  }
0xa: {  	s29 =	simm.s32 $0x3;
	_ =	strace $0x80000047;
	s10 =	smul.u32 $0x186A00, s4  }
0xb: {  	s12 =	sshll.u32 s4, $0x7;
	[dreg:$0x8] =	wrdreg s15;
	s4 =	ssub.s32 $0x2, s4  }
0xc: {  	[dreg:$0x13] =	wrdreg s26;
	s30 =	sor.u32 $0x1C03, s26;
	s11 =	sshrl.u32 s1, $0x3  }
0xd: {  	s9 =	sor.u32 s12, s9;
	s1 =	sadd.s32 s1, s7;
	[dreg:$0x16] =	wrdreg s30  }
0xe: {  	s12 =	simm.s32 $0x640;
	s11 =	sadd.s32 s11, s0;
	s9 =	sshrl.u32 s9, $0x3  }
0xf: {  	s10 =	sadd.s32 s13, s10;
	s13 =	sshrl.u32 s4, $0x1;
	[dreg:$0x11] =	wrdreg s1  }
0x10: {  	s1 =	simm.s32 $0x1BC80;
	s15 =	sshrl.u32 s10, $0x3;
	s25 =	sadd.s32 $0x400, s11  }
0x11: {  	s0 =	sadd.s32 s9, s0;
	s16 =	sadd.s32 s2, s15;
	[dreg:$0x12] =	wrdreg s25  }
0x12: {  	s4 =	ssub.s32 s4, s13;
	s17 =	sadd.s32 s3, s15;
	[dreg:$0x9] =	wrdreg s16  }
0x13: {  	s11 =	simm.s32 $0x1;
	s18 =	sadd.s32 s5, s15;
	[dreg:$0xa] =	wrdreg s17  }
0x14: {  	s13 =	simm.s32 $0x1C300;
	s19 =	sadd.s32 s6, s15;
	[dreg:$0xb] =	wrdreg s18  }
0x15: {  	s20 =	sadd.s32 $0xC8, s15;
	s0 =	sadd.s32 $0x3600, s0;
	[dreg:$0xc] =	wrdreg s19  }
0x16: {  	s24 =	sadd.s32 $0x3070, s15;
	s28 =	smax.u32 s4, $0x1;
	[dreg:$0x14] =	wrdreg s0  }
0x17: {  	s15 =	simm.s32 $0x2;
	s21 =	sadd.s32 s2, s20;
	[dreg:$0x15] =	wrdreg s28  }
0x18: {  	s22 =	sadd.s32 s3, s20;
	s23 =	sadd.s32 s5, s20;
	[dreg:$0xd] =	wrdreg s21  }
0x19: {  	s9 =	sadd.s32 s6, s20;
	s16 =	simm.s32 $0x1D000;
	[dreg:$0xe] =	wrdreg s22  }
0x1a: {  	s17 =	simm.s32 $0x1D680;
	s18 =	simm.s32 $0x0;
	[dreg:$0xf] =	wrdreg s23  }
0x1b: {  	[dreg:$0x10] =	wrdreg s9;
	s21 =	sadd.s32 s2, s24;
	s22 =	sadd.s32 s3, s24  }
0x1c: {  	s23 =	sadd.s32 s5, s24;
	s24 =	sadd.s32 s6, s24;
	s9 =	simm.s32 $0x4  }
.LBB2_1:
0x1d: {  	[dreg:$0x17] =	wrdreg s18  }
0x1e: {  	s0 =	rddreg [dreg:$0x9]  }
0x1f: {  	s25 =	rddreg [dreg:$0xa]  }
0x20: {  	s28 =	rddreg [dreg:$0xb]  }
0x21: {  	s18 =	rddreg [dreg:$0xc]  }
0x22: {  	s4 =	simm.s32 $0x18F00;
	s20 =	rddreg [dreg:$0xd]  }
0x23: {  	[tilespmem:s4], [sflag:$0x1] =	stream.linear.gather [hbm4b:s0+s8], $0x640, $0x38;
	[tilespmem:$0x1F980] =	vst v63  }
0x24: {  	s26 =	simm.s32 $0x19580;
	s4 =	rddreg [dreg:$0x10]  }
0x25: {  	[tilespmem:s26], [sflag:$0x1] =	stream.linear.gather [hbm4b:s25+s8], $0x640, $0x38;
	[tilespmem:$0x1F980] =	vst v63  }
0x26: {  	s30 =	simm.s32 $0x19C00;
	s26 =	rddreg [dreg:$0xe]  }
0x27: {  	[tilespmem:s30], [sflag:$0x1] =	stream.linear.gather [hbm4b:s28+s8], $0x640, $0x38;
	[tilespmem:$0x1F980] =	vst v63  }
0x28: {  	s19 =	simm.s32 $0x1A280;
	s30 =	rddreg [dreg:$0xf]  }
0x29: {  	[tilespmem:s19], [sflag:$0x1] =	stream.linear.gather [hbm4b:s18+s8], $0x640, $0x38;
	[tilespmem:$0x1F980] =	vst v63  }
0x2a: {  	s25 =	simm.s32 $0x1A900;
	s18 =	rddreg [dreg:$0x0]  }
0x2b: {  	[tilespmem:s25], [sflag:$0x2] =	stream.linear.gather [hbm4b:s20+s8], $0x640, $0x38;
	[tilespmem:$0x1F980] =	vst v63  }
0x2c: {  	s28 =	simm.s32 $0x1AF80;
	s19 =	rddreg [dreg:$0x8]  }
0x2d: {  	[tilespmem:s28], [sflag:$0x2] =	stream.linear.gather [hbm4b:s26+s8], $0x640, $0x38;
	[tilespmem:$0x1F980] =	vst v63  }
0x2e: {  	s25 =	rddreg [dreg:$0x11]  }
0x2f: {  	[tilespmem:s31], [sflag:$0x2] =	stream.linear.gather [hbm4b:s30+s8], $0x640, $0x38;
	[tilespmem:$0x1F980] =	vst v63  }
0x30: {  	s26 =	sshrl.u32 s25, $0x3;
	s28 =	rddreg [dreg:$0x12]  }
0x31: {  	[tilespmem:s1], [sflag:$0x2] =	stream.linear.gather [hbm4b:s4+s8], $0x640, $0x38;
	[tilespmem:$0x1F980] =	vst v63  }
0x32: {  	[dreg:$0x18] =	wrdreg s26  }
0x33: {  	[tilespmem:s8], [sflag:$0x3] =	stream.linear.gather [hbm4b:s18+s8], $0x18700, $0x38;
	[tilespmem:$0x1F980] =	vst v63  }
0x34: {  	s20 =	simm.s32 $0x18700;
	s30 =	rddreg [dreg:$0x16]  }
0x35: {  	[tilespmem:s20], [sflag:$0x4] =	stream.linear.gather [hbm4b:s19+s8], $0x800, $0x38;
	[tilespmem:$0x1F980] =	vst v63  }
0x36: {  	[spmem:s26], [sflag:s30] =	dma.local [hbm:s28], $0x320  }
0x37: {  	_ =	swait.ge [sflag:s29], $0x18700  }
0x38: {  	[sflag:s29] =	ssyncset.done $0x0  }
0x39: {  	[sflag:s29] =	ssyncadd.s32 $0xFFFE7900  }
0x3a: {  	_ =	swait.ge [sflag:s9], $0x800  }
0x3b: {  	[sflag:s9] =	ssyncset.done $0x0  }
0x3c: {  	[sflag:s9] =	ssyncadd.s32 $0xFFFFF800  }
0x3d: {  	_ =	swait.ge [sflag:s29], $0x320  }
0x3e: {  	[sflag:s29] =	ssyncset.done $0x0  }
0x3f: {  	[sflag:s29] =	ssyncadd.s32 $0xFFFFFCE0  }
0x40: {  	[bflag:$0x0] =	sbarrier.arrive $0xFFFF  }
0x41: {  	v8 =	vld [tilespmem:$0x18780]  }
0x42: {  	v6 =	vld [tilespmem:$0x18800]  }
0x43: {  	v5 =	vld [tilespmem:$0x18880]  }
0x44: {  	v7 =	vld [tilespmem:$0x18900]  }
0x45: {  	v4 =	vld [tilespmem:$0x18980]  }
0x46: {  	v2 =	vld [tilespmem:$0x18A00]  }
0x47: {  	v3 =	vld [tilespmem:$0x18A80]  }
0x48: {  	v0 =	vld [tilespmem:$0x18B80]  }
0x49: {  	s26 =	simm.s32 $0x0;
	v1 =	vld [tilespmem:$0x18B00]  }
.LBB2_2:
0x4a: {  	_ =	swait.ge [sflag:s11], $0x640  }
0x4b: {  	[sflag:s11] =	ssyncset.done $0x0  }
0x4c: {  	[sflag:s11] =	ssyncadd.s32 $0xFFFFF9C0  }
0x4d: {  	_ =	swait.ge [sflag:s11], $0x640  }
0x4e: {  	[sflag:s11] =	ssyncset.done $0x0  }
0x4f: {  	[sflag:s11] =	ssyncadd.s32 $0xFFFFF9C0  }
0x50: {  	_ =	swait.ge [sflag:s11], $0x640  }
0x51: {  	[sflag:s11] =	ssyncset.done $0x0  }
0x52: {  	[sflag:s11] =	ssyncadd.s32 $0xFFFFF9C0  }
0x53: {  	_ =	swait.ge [sflag:s11], $0x640  }
0x54: {  	p0 =	seq.s32 s26, $0x0;
	[sflag:s11] =	ssyncset.done $0x0  }
0x55: {  	s0 =	simm.s32 @!p0 $0x3;
	[sflag:s11] =	ssyncadd.s32 $0xFFFFF9C0  }
0x56: {  	_ =	swait.ge @!p0 [sflag:s0], $0x640  }
0x57: {  	[sflag:s0] =	ssyncset.done @!p0 $0x0  }
0x58: {  	s4 =	simm.s32 $0x18F20;
	[sflag:s0] =	ssyncadd.s32 @!p0 $0xFFFFF9C0  }
0x59: {  	v9 =	vld [tilespmem:s4+$0xFFFFFFF0];
	_ =	sdelay $0x2  }
0x5a: {  	v11 =	vld [tilespmem:s4+$0xFFFFFFE0]  }
0x5b: {  	s29 =	simm.s32 $0x1C320;
	v12 =	vld [tilespmem:s4+$0x0]  }
0x5c: {  	s25 =	simm.s32 $0x195A0;
	v13 =	vld [tilespmem:s4+$0x10];
	[tilespmem:s29+$0xFFFFFFF0] =	vst v9  }
0x5d: {  	v10 =	vld [tilespmem:s25+$0xFFFFFFF0];
	_ =	sdelay $0x1  }
0x5e: {  	[tilespmem:s29+$0xFFFFFFE0] =	vst v11  }
0x5f: {  	[tilespmem:s29+$0x0] =	vst v12;
	v14 =	vld [tilespmem:s25+$0xFFFFFFE0]  }
0x60: {  	s19 =	simm.s32 $0x19C20;
	v16 =	vld [tilespmem:s25+$0x0]  }
0x61: {  	[tilespmem:s29+$0x10] =	vst v13;
	v15 =	vld [tilespmem:s19+$0xFFFFFFF0]  }
0x62: {  	v17 =	vld [tilespmem:s25+$0x10]  }
0x63: {  	v9 =	vld.idx.msk [tilespmem:v9+s8+$0x0], $0xffff  }
0x64: {  	v10 =	vld.idx.msk [tilespmem:v10+s8+$0x0], $0xffff  }
0x65: {  	v11 =	vld.idx.msk [tilespmem:v11+s8+$0x0], $0xffff  }
0x66: {  	v12 =	vld.idx.msk [tilespmem:v12+s8+$0x0], $0xffff  }
0x67: {  	v28 =	vld.idx.msk [tilespmem:v14+s8+$0x0], $0xffff  }
0x68: {  	v16 =	vld.idx.msk [tilespmem:v16+s8+$0x0], $0xffff  }
0x69: {  	v9 =	vand.u32 $0xFFFF0000, v9;
	v14 =	vld [tilespmem:s19+$0xFFFFFFE0];
	v18 =	vand.u32 $0xFFFF0000, v10  }
0x6a: {  	v9 =	vadd.f32 v18, v9;
	v18 =	vld [tilespmem:s19+$0x0];
	_ =	sdelay $0x1  }
0x6b: {  	(erf) = vrcp.f32 v15;
	v11 =	vand.u32 $0xFFFF0000, v11;
	v12 =	vand.u32 $0xFFFF0000, v12  }
0x6c: {  	v22 =	vand.u32 $0xFFFF0000, v16;
	v9 =	vmul.f32 v9, v15;
	v15 =	vand.u32 $0xFFFF0000, v28  }
0x6d: {  	v20 =	vld [tilespmem:s4+$0x20];
	(erf) = vrcp.f32 v14;
	v12 =	vadd.f32 v22, v12;
	v11 =	vadd.f32 v15, v11  }
0x6e: {  	v13 =	vld.idx.msk [tilespmem:v13+s8+$0x0], $0xffff;
	v19 =	vmul.f32 v9, v8;
	(erf) = vrcp.f32 v18  }
0x6f: {  	v17 =	vld.idx.msk [tilespmem:v17+s8+$0x0], $0xffff;
	v24 =	vmul.f32 v11, v14;
	v12 =	vmul.f32 v12, v18  }
0x70: {  	v9 =	vmul.f32 v19, v6;
	v21 =	vmul.f32 v19, v7  }
0x71: {  	v12 =	vmul.f32 v12, v8;
	v24 =	vmul.f32 v24, v8  }
0x72: {  	v15 =	vld [tilespmem:s19+$0x10];
	v9 =	vmul.f32 $1.442695020e+00, v9;
	v21 =	vmul.f32 $1.442695020e+00, v21  }
0x73: {  	s18 =	simm.s32 $0x1A2A0;
	v23 =	vmul.f32 v12, v4;
	v29 =	vmul.f32 v12, v5  }
0x74: {  	[tilespmem:s29+$0x20] =	vst v20;
	v22 =	vld [tilespmem:s18+$0xFFFFFFF0];
	(erf) = vpow2.f32 v9;
	v9 =	vand.u32 $0xFFFF0000, v13;
	v13 =	vand.u32 $0xFFFF0000, v17  }
0x75: {  	v18 =	vld [tilespmem:s25+$0x20];
	v34 =	vmul.f32 v24, v5;
	v9 =	vadd.f32 v13, v9;
	v13 =	vmul.f32 v19, v5  }
0x76: {  	v11 =	vld [tilespmem:s18+$0x0];
	(erf) = vpow2.f32 v21;
	v19 =	vmul.f32 v19, v4  }
0x77: {  	v35 =	vmul.f32 $1.442695020e+00, v29;
	(erf) = vrcp.f32 v15  }
0x78: {  	v10 =	vshll.u32 v10, $0x10;
	v9 =	vmul.f32 v9, v15;
	v13 =	vmul.f32 $1.442695020e+00, v13  }
0x79: {  	v15 =	vmul.f32 v10, v22;
	v19 =	vmul.f32 $1.442695020e+00, v19  }
0x7a: {  	(erf) = vpow2.f32 v13;
	v25 =	vmul.f32 v9, v8;
	v13 =	vshll.u32 v16, $0x10  }
0x7b: {  	v14 =	vpop (erf);
	v16 =	vmul.f32 v12, v6;
	v11 =	vmul.f32 v13, v11  }
0x7c: {  	v20 =	vld.idx.msk [tilespmem:v20+s8+$0x0], $0xffff;
	v9 =	vpop (erf);
	v13 =	vmul.f32 v25, v6;
	v26 =	vmul.f32 v25, v7  }
0x7d: {  	v31 =	vld.idx.msk [tilespmem:v18+s8+$0x0], $0xffff;
	v27 =	vmul.f32 v25, v5;
	v10 =	vpop (erf);
	(erf) = vpow2.f32 v19  }
0x7e: {  	v19 =	vmul.f32 v24, v4;
	v30 =	vmul.f32 $1.442695020e+00, v13  }
0x7f: {  	v13 =	vmul.f32 v25, v4;
	v32 =	vmul.f32 $1.442695020e+00, v26  }
0x80: {  	v26 =	vmul.f32 v24, v7;
	v24 =	vmul.f32 v24, v6  }
0x81: {  	v20 =	vand.u32 $0xFFFF0000, v20;
	v21 =	vpop (erf);
	v25 =	vmul.f32 $1.442695020e+00, v16;
	v18 =	vmul.f32 $1.442695020e+00, v13;
	v13 =	vld [tilespmem:s19+$0x20]  }
0x82: {  	v33 =	vand.u32 $0xFFFF0000, v31;
	v27 =	vmul.f32 $1.442695020e+00, v27;
	v21 =	vmul.f32 v21, v2  }
0x83: {  	v16 =	vadd.f32 v33, v20;
	v33 =	vmul.f32 $1.442695020e+00, v19;
	(erf) = vpow2.f32 v32  }
0x84: {  	v22 =	vpop (erf);
	(erf) = vpow2.f32 v30;
	v30 =	vmul.f32 v12, v7  }
0x85: {  	s20 =	smul.u32 $0xC80, s26;
	v22 =	vmul.f32 v22, v1;
	v26 =	vmul.f32 $1.442695020e+00, v26  }
0x86: {  	s9 =	simm.s32 $0x1C9A0;
	v19 =	vshll.u32 v17, $0x10;
	v24 =	vmul.f32 $1.442695020e+00, v24;
	v12 =	vpop (erf);
	v36 =	vmul.f32 v16, v13  }
0x87: {  	s30 =	simm.s32 $0x1A2F0;
	s28 =	sadd.s32 s10, s20;
	s20 =	simm.s32 $0x0;
	v29 =	vld [tilespmem:s18+$0x10];
	v17 =	vshll.u32 v31, $0x10;
	v32 =	vmul.f32 $1.442695020e+00, v34;
	v63 =	vpop (erf);
	v31 =	vmul.f32 $1.442695020e+00, v30  }
0x88: {  	s0 =	simm.s32 $0x19C70;
	s4 =	simm.s32 $0x1C9F0;
	v20 =	vld [tilespmem:s18+$0xFFFFFFE0];
	s19 =	simm.s32 $0x18F70;
	v34 =	vmul.f32 v63, v3;
	v16 =	vshll.u32 v28, $0x10;
	v30 =	vpop (erf);
	v28 =	vmul.f32 v36, v8  }
.LBB2_3:
0x89: {  	v36 =	vld [tilespmem:s19+$0xFFFFFFF0];
	s20 =	sadd.s32 $0x50, s20;
	v23 =	vmul.f32 $1.442695020e+00, v23;
	s29 =	sadd.s32 $0x50, s29;
	s25 =	sadd.s32 $0x50, s25;
	(erf) = vpow2.f32 v33  }
0x8a: {  	v21 =	vadd.f32 v34, v21;
	v33 =	vld [tilespmem:s19+$0x20];
	p1 =	slt.u32 s20, $0x5F0;
	v34 =	vmul.f32 v28, v6;
	(erf) = vpow2.f32 v18  }
0x8b: {  	v38 =	vmul.f32 v28, v5;
	v37 =	vld [tilespmem:s19+$0xFFFFFFE0];
	(erf) = vpow2.f32 v35  }
0x8c: {  	v21 =	vadd.f32 v21, v22;
	v22 =	vmul.f32 v30, v0;
	v35 =	vld [tilespmem:s19+$0x0];
	(erf) = vpow2.f32 v27;
	v27 =	vpop (erf)  }
0x8d: {  	v30 =	vld [tilespmem:s19+$0x10];
	v18 =	vmul.f32 v19, v29;
	(erf) = vpow2.f32 v32;
	v19 =	vpop (erf)  }
0x8e: {  	v21 =	vadd.f32 v21, v22;
	v29 =	vmul.f32 $1.442695020e+00, v34;
	v32 =	vmul.f32 v28, v7;
	[tilespmem:s29+$0xFFFFFFF0] =	vst v36;
	v22 =	vld [tilespmem:s18+$0x20];
	s18 =	smov.u32 s30  }
0x8f: {  	v38 =	vmul.f32 $1.442695020e+00, v38;
	v34 =	vld [tilespmem:s25+$0xFFFFFFF0];
	[tilespmem:s29+$0x20] =	vst v33;
	(erf) = vpow2.f32 v23  }
0x90: {  	v28 =	vmul.f32 v28, v4;
	[tilespmem:s29+$0xFFFFFFE0] =	vst v37;
	v23 =	vld [tilespmem:s0+$0xFFFFFFF0];
	(erf) = vpow2.f32 v31  }
0x91: {  	v21 =	vmul.f32 v21, v15;
	v31 =	vld.idx.msk [tilespmem:v36+s8+$0x0], $0xffff;
	[tilespmem:s29+$0x0] =	vst v35;
	(erf) = vpow2.f32 v26  }
0x92: {  	v32 =	vmul.f32 $1.442695020e+00, v32;
	v28 =	vmul.f32 $1.442695020e+00, v28;
	v26 =	vld [tilespmem:s25+$0xFFFFFFE0];
	v36 =	vpop (erf)  }
0x93: {  	v39 =	vmul.f32 v21, v14;
	v33 =	vld.idx.msk [tilespmem:v33+s8+$0x0], $0xffff;
	(erf) = vpow2.f32 v25;
	v15 =	vpop (erf)  }
0x94: {  	v21 =	vmul.f32 v27, v1;
	v25 =	vld [tilespmem:s25+$0x0];
	[tilespmem:s29+$0x10] =	vst v30;
	v27 =	vpop (erf);
	(erf) = vpow2.f32 v32  }
0x95: {  	v32 =	vld.idx.msk [tilespmem:v37+s8+$0x0], $0xffff;
	[tilespmem:s9+$0xFFFFFFF0] =	vst v39;
	v14 =	vpop (erf);
	(erf) = vpow2.f32 v29  }
0x96: {  	v22 =	vmul.f32 v17, v22;
	v29 =	vld [tilespmem:s25+$0x10];
	v14 =	vmul.f32 v14, v3;
	v17 =	vpop (erf)  }
0x97: {  	v36 =	vmul.f32 v36, v0;
	v34 =	vld.idx.msk [tilespmem:v34+s8+$0x0], $0xffff;
	(erf) = vpow2.f32 v24  }
0x98: {  	v17 =	vmul.f32 v17, v3;
	v24 =	vld [tilespmem:s25+$0x20];
	v37 =	vpop (erf);
	(erf) = vpow2.f32 v38  }
0x99: {  	v40 =	vmul.f32 v19, v2;
	v30 =	vld.idx.msk [tilespmem:v30+s8+$0x0], $0xffff;
	v38 =	vpop (erf);
	(erf) = vpow2.f32 v28  }
0x9a: {  	v20 =	vmul.f32 v16, v20;
	v26 =	vld.idx.msk [tilespmem:v26+s8+$0x0], $0xffff;
	v16 =	vpop (erf);
	(erf) = vrcp.f32 v13  }
0x9b: {  	v39 =	vmul.f32 v15, v0;
	v28 =	vld.idx.msk [tilespmem:v35+s8+$0x0], $0xffff;
	v35 =	vmul.f32 v38, v1;
	v38 =	vadd.f32 v14, v40  }
0x9c: {  	v15 =	vand.u32 $0xFFFF0000, v33;
	v14 =	vand.u32 $0xFFFF0000, v32;
	v25 =	vld.idx.msk [tilespmem:v25+s8+$0x0], $0xffff;
	(erf) = vrcp.f32 v23;
	v19 =	vpop (erf)  }
0x9d: {  	v13 =	vand.u32 $0xFFFF0000, v31;
	v32 =	vmul.f32 v37, v0;
	v31 =	vand.u32 $0xFFFF0000, v34;
	v33 =	vpop (erf)  }
0x9e: {  	v43 =	vadd.f32 v31, v13;
	v19 =	vmul.f32 v19, v2;
	v13 =	vld [tilespmem:s0+$0x20];
	v33 =	vmul.f32 v33, v1;
	v37 =	vpop (erf)  }
0x9f: {  	v16 =	vmul.f32 v16, v1;
	v34 =	vshll.u32 v34, $0x10;
	v40 =	vld [tilespmem:s0+$0xFFFFFFE0];
	v37 =	vmul.f32 v37, v2  }
0xa0: {  	v27 =	vmul.f32 v27, v3;
	v41 =	vand.u32 $0xFFFF0000, v26;
	v23 =	vmul.f32 v43, v23;
	v29 =	vld.idx.msk [tilespmem:v29+s8+$0x0], $0xffff;
	v31 =	vpop (erf)  }
0xa1: {  	v30 =	vand.u32 $0xFFFF0000, v30;
	v14 =	vadd.f32 v41, v14;
	v28 =	vand.u32 $0xFFFF0000, v28;
	v41 =	vld [tilespmem:s0+$0x0];
	v42 =	vpop (erf)  }
0xa2: {  	v43 =	vmul.f32 v23, v8;
	v23 =	vand.u32 $0xFFFF0000, v25;
	v24 =	vld.idx.msk [tilespmem:v24+s8+$0x0], $0xffff;
	v42 =	vmul.f32 v42, v3;
	v44 =	vpop (erf)  }
0xa3: {  	v23 =	vadd.f32 v23, v28;
	v28 =	vmul.f32 v31, v2;
	v31 =	vmul.f32 v44, v0;
	v44 =	vpop (erf)  }
0xa4: {  	v27 =	vadd.f32 v27, v19;
	v45 =	vmul.f32 v43, v6;
	v46 =	vld [tilespmem:s0+$0x10];
	(erf) = vrcp.f32 v40  }
0xa5: {  	v19 =	vmul.f32 v43, v7;
	v40 =	vmul.f32 v14, v40;
	v37 =	vadd.f32 v42, v37;
	v14 =	vpop (erf)  }
0xa6: {  	v42 =	vmul.f32 $1.442695020e+00, v45;
	v45 =	vand.u32 $0xFFFF0000, v29;
	(erf) = vrcp.f32 v41  }
0xa7: {  	v48 =	vmul.f32 $1.442695020e+00, v19;
	v30 =	vadd.f32 v45, v30;
	v33 =	vadd.f32 v37, v33;
	v47 =	vld [tilespmem:s30+$0xFFFFFFF0]  }
0xa8: {  	v17 =	vadd.f32 v17, v28;
	v37 =	vmul.f32 v43, v5;
	(erf) = vpow2.f32 v42  }
0xa9: {  	v19 =	vshll.u32 v29, $0x10;
	v28 =	vmul.f32 v30, v46;
	(erf) = vpow2.f32 v48  }
0xaa: {  	v29 =	vmul.f32 $1.442695020e+00, v37;
	v31 =	vadd.f32 v33, v31;
	v30 =	vand.u32 $0xFFFF0000, v24  }
0xab: {  	v23 =	vmul.f32 v23, v41;
	v30 =	vadd.f32 v30, v15;
	v33 =	vld [tilespmem:s30+$0x0];
	(erf) = vrcp.f32 v46  }
0xac: {  	v16 =	vadd.f32 v17, v16;
	v15 =	vmul.f32 v34, v47;
	(erf) = vpow2.f32 v29  }
0xad: {  	v17 =	vshll.u32 v24, $0x10;
	v28 =	vmul.f32 v28, v8;
	v29 =	vmul.f32 v23, v8;
	v24 =	vpop (erf)  }
0xae: {  	v34 =	vadd.f32 v16, v36;
	v16 =	vadd.f32 v27, v35;
	v27 =	vmul.f32 v31, v22  }
0xaf: {  	v22 =	vshll.u32 v25, $0x10;
	v25 =	vmul.f32 v29, v6;
	v23 =	vmul.f32 v29, v4;
	v31 =	vpop (erf)  }
0xb0: {  	v32 =	vadd.f32 v16, v32;
	v22 =	vmul.f32 v22, v33;
	v33 =	vmul.f32 v28, v6  }
0xb1: {  	v38 =	vadd.f32 v38, v21;
	v35 =	vmul.f32 v43, v4;
	v36 =	vmul.f32 v28, v7;
	v37 =	vpop (erf)  }
0xb2: {  	v16 =	vshll.u32 v26, $0x10;
	v32 =	vmul.f32 v32, v11;
	v21 =	vmul.f32 v37, v2;
	v26 =	vpop (erf)  }
0xb3: {  	v35 =	vmul.f32 $1.442695020e+00, v35;
	v20 =	vmul.f32 v34, v20;
	v34 =	vadd.f32 v38, v39;
	v11 =	vmovc v22  }
0xb4: {  	v37 =	vmul.f32 v29, v5;
	v38 =	vmul.f32 $1.442695020e+00, v33;
	v33 =	vpop (erf)  }
0xb5: {  	v22 =	vmul.f32 v26, v1;
	v26 =	vmul.f32 v32, v10;
	v10 =	vmov v31;
	v39 =	vpop (erf)  }
0xb6: {  	v27 =	vmul.f32 v27, v44;
	v31 =	vmul.f32 $1.442695020e+00, v36  }
0xb7: {  	v32 =	vmul.f32 v40, v8;
	v36 =	vmul.f32 v28, v4;
	[tilespmem:s9+$0x0] =	vst v26  }
0xb8: {  	v26 =	vmul.f32 v34, v18;
	(erf) = vpow2.f32 v35;
	[tilespmem:s9+$0x20] =	vst v27  }
0xb9: {  	v34 =	vmul.f32 v32, v4;
	v18 =	vmul.f32 $1.442695020e+00, v36  }
0xba: {  	v35 =	vmul.f32 v32, v7;
	v26 =	vmul.f32 v26, v12;
	v12 =	vmov v33  }
0xbb: {  	v36 =	vmul.f32 v32, v5;
	v27 =	vmul.f32 v28, v5  }
0xbc: {  	v20 =	vmul.f32 v20, v9;
	v9 =	vmov v24;
	v28 =	vmul.f32 v32, v6;
	[tilespmem:s9+$0x10] =	vst v26  }
0xbd: {  	v25 =	vmul.f32 $1.442695020e+00, v25;
	v27 =	vmul.f32 $1.442695020e+00, v27  }
0xbe: {  	v26 =	vmul.f32 $1.442695020e+00, v35;
	(erf) = vpow2.f32 v31;
	[tilespmem:s9+$0xFFFFFFE0] =	vst v20;
	s9 =	smov.u32 s4  }
.Ltmp0:
0xbf: {  	v33 =	vmul.f32 $1.442695020e+00, v34;
	(erf) = vpow2.f32 v38;
	(pc) =	sbr.rel @p1 .LBB2_3-.Ltmp0, $4  }
0xc0: {  	v29 =	vmul.f32 v29, v7;
	v38 =	vmul.f32 v30, v13  }
0xc1: {  	v32 =	vmul.f32 $1.442695020e+00, v36;
	v24 =	vmul.f32 $1.442695020e+00, v28;
	v30 =	vpop (erf)  }
0xc2: {  	v34 =	vmul.f32 v39, v3;
	v35 =	vmul.f32 $1.442695020e+00, v37;
	s4 =	sadd.s32 $0x50, s4;
	v20 =	vld [tilespmem:s30+$0xFFFFFFE0]  }
0xc3: {  	s19 =	sadd.s32 $0x50, s19;
	s0 =	sadd.s32 $0x50, s0;
	v31 =	vmul.f32 $1.442695020e+00, v29;
	v28 =	vmul.f32 v38, v8;
	s30 =	sadd.s32 $0x50, s30;
	v29 =	vld [tilespmem:s18+$0x10]  }
0xc4: {  	(erf) = vpow2.f32 v33  }
0xc5: {  	(erf) = vpow2.f32 v18  }
0xc6: {  	(erf) = vpow2.f32 v35  }
0xc7: {  	v18 =	vmul.f32 $1.442695020e+00, v23;
	(erf) = vpow2.f32 v27  }
0xc8: {  	(erf) = vpow2.f32 v32  }
0xc9: {  	v27 =	vmul.f32 v28, v7;
	(erf) = vpow2.f32 v18  }
0xca: {  	v23 =	vmul.f32 v28, v6;
	(erf) = vpow2.f32 v31  }
0xcb: {  	v31 =	vpop (erf);
	(erf) = vpow2.f32 v26;
	v26 =	vmul.f32 $1.442695020e+00, v27  }
0xcc: {  	v23 =	vmul.f32 $1.442695020e+00, v23  }
0xcd: {  	v18 =	vmul.f32 v28, v5;
	v27 =	vpop (erf);
	(erf) = vpow2.f32 v25  }
0xce: {  	v25 =	vpop (erf);
	(erf) = vpow2.f32 v26  }
0xcf: {  	v21 =	vadd.f32 v34, v21;
	v18 =	vmul.f32 $1.442695020e+00, v18;
	v26 =	vpop (erf);
	(erf) = vpow2.f32 v23  }
0xd0: {  	v23 =	vpop (erf);
	(erf) = vpow2.f32 v24;
	v24 =	vmul.f32 v28, v4  }
0xd1: {  	v21 =	vadd.f32 v21, v22;
	v22 =	vmul.f32 v30, v0  }
0xd2: {  	v30 =	vld [tilespmem:s18+$0x20];
	v28 =	vpop (erf);
	(erf) = vpow2.f32 v18;
	v24 =	vmul.f32 $1.442695020e+00, v24  }
0xd3: {  	v21 =	vadd.f32 v21, v22;
	v18 =	vpop (erf)  }
0xd4: {  	v58 =	vpop (erf)  }
0xd5: {  	v19 =	vmul.f32 v19, v29;
	v22 =	vpop (erf)  }
0xd6: {  	v15 =	vmul.f32 v21, v15;
	(erf) = vpow2.f32 v24;
	v24 =	vpop (erf)  }
0xd7: {  	v29 =	vmul.f32 v31, v1;
	v17 =	vmul.f32 v17, v30;
	v21 =	vpop (erf)  }
0xd8: {  	v27 =	vmul.f32 v27, v2;
	v23 =	vmul.f32 v23, v3;
	v31 =	vpop (erf)  }
0xd9: {  	v28 =	vmul.f32 v28, v3;
	v18 =	vmul.f32 v18, v3;
	v30 =	vpop (erf)  }
0xda: {  	v21 =	vmul.f32 v21, v2;
	(erf) = vrcp.f32 v13;
	v13 =	vpop (erf)  }
0xdb: {  	v27 =	vadd.f32 v28, v27;
	v22 =	vmul.f32 v22, v1;
	v59 =	vpop (erf);
	v13 =	vmul.f32 v13, v2  }
0xdc: {  	v30 =	vmul.f32 v30, v2;
	v21 =	vadd.f32 v23, v21;
	v33 =	vmul.f32 v59, v3  }
0xdd: {  	v24 =	vmul.f32 v24, v1;
	v23 =	vmul.f32 v31, v1;
	v13 =	vadd.f32 v18, v13  }
0xde: {  	v21 =	vadd.f32 v21, v22;
	v28 =	vadd.f32 v33, v30;
	v30 =	vmul.f32 v58, v0  }
0xdf: {  	v16 =	vmul.f32 v16, v20;
	v25 =	vmul.f32 v25, v0;
	v31 =	vpop (erf);
	v13 =	vadd.f32 v13, v24  }
0xe0: {  	v22 =	vmul.f32 v31, v0;
	v23 =	vadd.f32 v28, v23;
	v21 =	vadd.f32 v21, v30  }
0xe1: {  	v18 =	vmul.f32 v26, v0;
	v26 =	vadd.f32 v27, v29;
	v13 =	vadd.f32 v13, v25  }
0xe2: {  	v22 =	vadd.f32 v23, v22;
	v11 =	vmul.f32 v21, v11  }
0xe3: {  	v14 =	vmul.f32 v15, v14;
	v15 =	vadd.f32 v26, v18;
	v13 =	vmul.f32 v13, v16  }
0xe4: {  	v17 =	vmul.f32 v22, v17;
	v10 =	vmul.f32 v11, v10  }
0xe5: {  	[tilespmem:s9+$0xFFFFFFF0] =	vst v14;
	v18 =	vpop (erf);
	v11 =	vmul.f32 v15, v19;
	v9 =	vmul.f32 v13, v9  }
0xe6: {  	v14 =	vmul.f32 v17, v18;
	[tilespmem:s9+$0x0] =	vst v10  }
0xe7: {  	v10 =	vmul.f32 v11, v12;
	[tilespmem:s9+$0xFFFFFFE0] =	vst v9  }
0xe8: {  	[tilespmem:s9+$0x20] =	vst v14  }
0xe9: {  	p1 =	seq.s32 s26, $0x1E;
	[tilespmem:s9+$0x10] =	vst v10  }
0xea: {  	[spmem:s7] =	stream.indirect.scatter.add.f32 [tilespmem:s14], [sflag:$0x3], $0x1, s13, s12, $0xb8;
	[tilespmem:$0x1F980] =	vst v63  }
0xeb: {  	s0 =	simm.s32 @p1 $0x0;
	s4 =	simm.s32 @p1 $0x18F00  }
0xec: {  	[tilespmem:s4], [sflag:$0x1] =	stream.linear.gather @p1 [hbm4b:s21+s0], $0x320, $0x38;
	[tilespmem:$0x1F980] =	vst v63  }
0xed: {  	s4 =	simm.s32 @p1 $0x19580  }
0xee: {  	[tilespmem:s4], [sflag:$0x1] =	stream.linear.gather @p1 [hbm4b:s22+s0], $0x320, $0x38;
	[tilespmem:$0x1F980] =	vst v63  }
0xef: {  	s4 =	simm.s32 @p1 $0x19C00  }
0xf0: {  	[tilespmem:s4], [sflag:$0x1] =	stream.linear.gather @p1 [hbm4b:s23+s0], $0x320, $0x38;
	[tilespmem:$0x1F980] =	vst v63  }
0xf1: {  	s4 =	simm.s32 @p1 $0x1A280  }
0xf2: {  	[tilespmem:s4], [sflag:$0x1] =	stream.linear.gather @p1 [hbm4b:s24+s0], $0x320, $0x38;
	[tilespmem:$0x1F980] =	vst v63  }
0xf3: {  	s0 =	sshrl.u32 @!p1 s28, $0x3  }
0xf4: {  	s0 =	sadd.s32 @!p1 $0x190, s0  }
0xf5: {  	s18 =	simm.s32 @!p1 $0x18F00;
	s9 =	simm.s32 @!p1 $0x0;
	s4 =	sadd.s32 @!p1 s2, s0  }
0xf6: {  	[tilespmem:s18], [sflag:$0x1] =	stream.linear.gather @!p1 [hbm4b:s4+s9], $0x640, $0x38;
	[tilespmem:$0x1F980] =	vst v63  }
0xf7: {  	s4 =	sadd.s32 @!p1 s3, s0;
	s18 =	simm.s32 @!p1 $0x19580  }
0xf8: {  	[tilespmem:s18], [sflag:$0x1] =	stream.linear.gather @!p1 [hbm4b:s4+s9], $0x640, $0x38;
	[tilespmem:$0x1F980] =	vst v63  }
0xf9: {  	s4 =	sadd.s32 @!p1 s5, s0;
	s18 =	simm.s32 @!p1 $0x19C00  }
0xfa: {  	[tilespmem:s18], [sflag:$0x1] =	stream.linear.gather @!p1 [hbm4b:s4+s9], $0x640, $0x38;
	[tilespmem:$0x1F980] =	vst v63  }
0xfb: {  	s0 =	sadd.s32 @!p1 s6, s0;
	s4 =	simm.s32 @!p1 $0x1A280  }
0xfc: {  	[tilespmem:s4], [sflag:$0x1] =	stream.linear.gather @!p1 [hbm4b:s0+s9], $0x640, $0x38;
	[tilespmem:$0x1F980] =	vst v63  }
0xfd: {  	_ =	swait.ge [sflag:s15], $0x640  }
0xfe: {  	[sflag:s15] =	ssyncset.done $0x0  }
0xff: {  	[sflag:s15] =	ssyncadd.s32 $0xFFFFF9C0  }
0x100: {  	_ =	swait.ge [sflag:s15], $0x640  }
0x101: {  	[sflag:s15] =	ssyncset.done $0x0  }
0x102: {  	[sflag:s15] =	ssyncadd.s32 $0xFFFFF9C0  }
0x103: {  	_ =	swait.ge [sflag:s15], $0x640  }
0x104: {  	[sflag:s15] =	ssyncset.done $0x0  }
0x105: {  	[sflag:s15] =	ssyncadd.s32 $0xFFFFF9C0  }
0x106: {  	_ =	swait.ge [sflag:s15], $0x640  }
0x107: {  	[sflag:s15] =	ssyncset.done $0x0  }
0x108: {  	s0 =	simm.s32 @!p0 $0x4;
	[sflag:s15] =	ssyncadd.s32 $0xFFFFF9C0  }
0x109: {  	_ =	swait.ge @!p0 [sflag:s0], $0x640  }
0x10a: {  	[sflag:s0] =	ssyncset.done @!p0 $0x0  }
0x10b: {  	s19 =	simm.s32 $0x1A920;
	[sflag:s0] =	ssyncadd.s32 @!p0 $0xFFFFF9C0  }
0x10c: {  	v9 =	vld [tilespmem:s19+$0xFFFFFFF0];
	_ =	sdelay $0x2  }
0x10d: {  	v11 =	vld [tilespmem:s19+$0xFFFFFFE0]  }
0x10e: {  	s25 =	simm.s32 $0x1D020;
	v12 =	vld [tilespmem:s19+$0x0]  }
0x10f: {  	s29 =	simm.s32 $0x1AFA0;
	v13 =	vld [tilespmem:s19+$0x10];
	[tilespmem:s25+$0xFFFFFFF0] =	vst v9  }
0x110: {  	v10 =	vld [tilespmem:s29+$0xFFFFFFF0];
	_ =	sdelay $0x1  }
0x111: {  	[tilespmem:s25+$0xFFFFFFE0] =	vst v11  }
0x112: {  	[tilespmem:s25+$0x0] =	vst v12;
	v14 =	vld [tilespmem:s29+$0xFFFFFFE0]  }
0x113: {  	s20 =	simm.s32 $0x1B620;
	v16 =	vld [tilespmem:s29+$0x0]  }
0x114: {  	[tilespmem:s25+$0x10] =	vst v13;
	v15 =	vld [tilespmem:s20+$0xFFFFFFF0]  }
0x115: {  	v17 =	vld [tilespmem:s29+$0x10]  }
0x116: {  	v9 =	vld.idx.msk [tilespmem:v9+s8+$0x0], $0xffff  }
0x117: {  	v10 =	vld.idx.msk [tilespmem:v10+s8+$0x0], $0xffff  }
0x118: {  	v11 =	vld.idx.msk [tilespmem:v11+s8+$0x0], $0xffff  }
0x119: {  	v12 =	vld.idx.msk [tilespmem:v12+s8+$0x0], $0xffff  }
0x11a: {  	v28 =	vld.idx.msk [tilespmem:v14+s8+$0x0], $0xffff  }
0x11b: {  	v16 =	vld.idx.msk [tilespmem:v16+s8+$0x0], $0xffff  }
0x11c: {  	v9 =	vand.u32 $0xFFFF0000, v9;
	v14 =	vld [tilespmem:s20+$0xFFFFFFE0];
	v18 =	vand.u32 $0xFFFF0000, v10  }
0x11d: {  	v9 =	vadd.f32 v18, v9;
	v18 =	vld [tilespmem:s20+$0x0];
	_ =	sdelay $0x1  }
0x11e: {  	(erf) = vrcp.f32 v15;
	v11 =	vand.u32 $0xFFFF0000, v11;
	v12 =	vand.u32 $0xFFFF0000, v12  }
0x11f: {  	v22 =	vand.u32 $0xFFFF0000, v16;
	v9 =	vmul.f32 v9, v15;
	v15 =	vand.u32 $0xFFFF0000, v28  }
0x120: {  	(erf) = vrcp.f32 v14;
	v12 =	vadd.f32 v22, v12;
	v11 =	vadd.f32 v15, v11  }
0x121: {  	v13 =	vld.idx.msk [tilespmem:v13+s8+$0x0], $0xffff;
	v19 =	vmul.f32 v9, v8;
	(erf) = vrcp.f32 v18  }
0x122: {  	v17 =	vld.idx.msk [tilespmem:v17+s8+$0x0], $0xffff;
	v24 =	vmul.f32 v11, v14;
	v12 =	vmul.f32 v12, v18  }
0x123: {  	v20 =	vld [tilespmem:s19+$0x20];
	v9 =	vmul.f32 v19, v6;
	v21 =	vmul.f32 v19, v7  }
0x124: {  	v12 =	vmul.f32 v12, v8;
	v24 =	vmul.f32 v24, v8  }
0x125: {  	v9 =	vmul.f32 $1.442695020e+00, v9;
	v21 =	vmul.f32 $1.442695020e+00, v21  }
0x126: {  	s18 =	simm.s32 $0x1BCA0;
	v15 =	vld [tilespmem:s20+$0x10];
	v23 =	vmul.f32 v12, v4;
	v29 =	vmul.f32 v12, v5  }
0x127: {  	v22 =	vld [tilespmem:s18+$0xFFFFFFF0];
	(erf) = vpow2.f32 v9;
	v9 =	vand.u32 $0xFFFF0000, v13;
	v13 =	vand.u32 $0xFFFF0000, v17  }
0x128: {  	[tilespmem:s25+$0x20] =	vst v20;
	v61 =	vmul.f32 v24, v5;
	v9 =	vadd.f32 v13, v9;
	v13 =	vmul.f32 v19, v5  }
0x129: {  	v18 =	vld [tilespmem:s29+$0x20];
	(erf) = vpow2.f32 v21;
	v19 =	vmul.f32 v19, v4  }
0x12a: {  	v11 =	vld [tilespmem:s18+$0x0];
	v32 =	vmul.f32 $1.442695020e+00, v61;
	v35 =	vmul.f32 $1.442695020e+00, v29  }
0x12b: {  	v10 =	vshll.u32 v10, $0x10;
	(erf) = vrcp.f32 v15;
	v9 =	vmul.f32 v9, v15  }
0x12c: {  	v13 =	vmul.f32 $1.442695020e+00, v13;
	v15 =	vmul.f32 v10, v22  }
0x12d: {  	v19 =	vmul.f32 $1.442695020e+00, v19;
	v25 =	vmul.f32 v9, v8  }
0x12e: {  	v14 =	vpop (erf);
	(erf) = vpow2.f32 v13;
	v13 =	vshll.u32 v16, $0x10;
	v16 =	vmul.f32 v12, v6  }
0x12f: {  	v11 =	vmul.f32 v13, v11;
	v13 =	vmul.f32 v25, v6  }
0x130: {  	v20 =	vld.idx.msk [tilespmem:v20+s8+$0x0], $0xffff;
	v9 =	vpop (erf);
	v26 =	vmul.f32 v25, v7;
	v27 =	vmul.f32 v25, v5  }
0x131: {  	v31 =	vld.idx.msk [tilespmem:v18+s8+$0x0], $0xffff;
	v10 =	vpop (erf);
	(erf) = vpow2.f32 v19;
	v19 =	vmul.f32 v24, v4  }
0x132: {  	v30 =	vmul.f32 $1.442695020e+00, v13;
	v13 =	vmul.f32 v25, v4  }
0x133: {  	v60 =	vmul.f32 $1.442695020e+00, v26;
	v26 =	vmul.f32 v24, v7  }
0x134: {  	v24 =	vmul.f32 v24, v6;
	v18 =	vmul.f32 $1.442695020e+00, v13;
	v13 =	vld [tilespmem:s20+$0x20]  }
0x135: {  	v20 =	vand.u32 $0xFFFF0000, v20;
	v21 =	vpop (erf);
	v25 =	vmul.f32 $1.442695020e+00, v16;
	v27 =	vmul.f32 $1.442695020e+00, v27  }
0x136: {  	v62 =	vand.u32 $0xFFFF0000, v31;
	v21 =	vmul.f32 v21, v2;
	(erf) = vpow2.f32 v60  }
0x137: {  	v16 =	vadd.f32 v62, v20;
	v22 =	vpop (erf);
	(erf) = vpow2.f32 v30;
	v30 =	vmul.f32 v12, v7  }
0x138: {  	v33 =	vmul.f32 $1.442695020e+00, v19;
	v22 =	vmul.f32 v22, v1  }
0x139: {  	v19 =	vshll.u32 v17, $0x10;
	v26 =	vmul.f32 $1.442695020e+00, v26;
	v12 =	vpop (erf);
	v36 =	vmul.f32 v16, v13  }
0x13a: {  	s30 =	simm.s32 $0x1BCF0;
	s9 =	simm.s32 $0x1D6A0;
	s4 =	simm.s32 $0x1D6F0;
	v29 =	vld [tilespmem:s18+$0x10];
	v17 =	vshll.u32 v31, $0x10;
	v24 =	vmul.f32 $1.442695020e+00, v24;
	v63 =	vpop (erf);
	v31 =	vmul.f32 $1.442695020e+00, v30  }
0x13b: {  	s0 =	simm.s32 $0x1B670;
	s19 =	simm.s32 $0x1A970;
	v20 =	vld [tilespmem:s18+$0xFFFFFFE0];
	s20 =	simm.s32 $0x0;
	v34 =	vmul.f32 v63, v3;
	v16 =	vshll.u32 v28, $0x10;
	v30 =	vpop (erf);
	v28 =	vmul.f32 v36, v8  }
.LBB2_5:
0x13c: {  	v36 =	vld [tilespmem:s19+$0xFFFFFFF0];
	s20 =	sadd.s32 $0x50, s20;
	v23 =	vmul.f32 $1.442695020e+00, v23;
	s25 =	sadd.s32 $0x50, s25;
	s29 =	sadd.s32 $0x50, s29;
	(erf) = vpow2.f32 v33  }
0x13d: {  	v21 =	vadd.f32 v34, v21;
	v33 =	vld [tilespmem:s19+$0x20];
	p0 =	slt.u32 s20, $0x5F0;
	v34 =	vmul.f32 v28, v6;
	(erf) = vpow2.f32 v18  }
0x13e: {  	v38 =	vmul.f32 v28, v5;
	v37 =	vld [tilespmem:s19+$0xFFFFFFE0];
	(erf) = vpow2.f32 v35  }
0x13f: {  	v21 =	vadd.f32 v21, v22;
	v22 =	vmul.f32 v30, v0;
	v35 =	vld [tilespmem:s19+$0x0];
	(erf) = vpow2.f32 v27;
	v27 =	vpop (erf)  }
0x140: {  	v30 =	vld [tilespmem:s19+$0x10];
	v18 =	vmul.f32 v19, v29;
	(erf) = vpow2.f32 v32;
	v19 =	vpop (erf)  }
0x141: {  	v21 =	vadd.f32 v21, v22;
	v29 =	vmul.f32 $1.442695020e+00, v34;
	v32 =	vmul.f32 v28, v7;
	[tilespmem:s25+$0xFFFFFFF0] =	vst v36;
	v22 =	vld [tilespmem:s18+$0x20];
	s18 =	smov.u32 s30  }
0x142: {  	v38 =	vmul.f32 $1.442695020e+00, v38;
	v34 =	vld [tilespmem:s29+$0xFFFFFFF0];
	[tilespmem:s25+$0x20] =	vst v33;
	(erf) = vpow2.f32 v23  }
0x143: {  	v28 =	vmul.f32 v28, v4;
	[tilespmem:s25+$0xFFFFFFE0] =	vst v37;
	v23 =	vld [tilespmem:s0+$0xFFFFFFF0];
	(erf) = vpow2.f32 v31  }
0x144: {  	v21 =	vmul.f32 v21, v15;
	v31 =	vld.idx.msk [tilespmem:v36+s8+$0x0], $0xffff;
	[tilespmem:s25+$0x0] =	vst v35;
	(erf) = vpow2.f32 v26  }
0x145: {  	v32 =	vmul.f32 $1.442695020e+00, v32;
	v28 =	vmul.f32 $1.442695020e+00, v28;
	v26 =	vld [tilespmem:s29+$0xFFFFFFE0];
	v36 =	vpop (erf)  }
0x146: {  	v39 =	vmul.f32 v21, v14;
	v33 =	vld.idx.msk [tilespmem:v33+s8+$0x0], $0xffff;
	(erf) = vpow2.f32 v25;
	v15 =	vpop (erf)  }
0x147: {  	v21 =	vmul.f32 v27, v1;
	v25 =	vld [tilespmem:s29+$0x0];
	[tilespmem:s25+$0x10] =	vst v30;
	v27 =	vpop (erf);
	(erf) = vpow2.f32 v32  }
0x148: {  	v32 =	vld.idx.msk [tilespmem:v37+s8+$0x0], $0xffff;
	[tilespmem:s9+$0xFFFFFFF0] =	vst v39;
	v14 =	vpop (erf);
	(erf) = vpow2.f32 v29  }
0x149: {  	v22 =	vmul.f32 v17, v22;
	v29 =	vld [tilespmem:s29+$0x10];
	v14 =	vmul.f32 v14, v3;
	v17 =	vpop (erf)  }
0x14a: {  	v36 =	vmul.f32 v36, v0;
	v34 =	vld.idx.msk [tilespmem:v34+s8+$0x0], $0xffff;
	(erf) = vpow2.f32 v24  }
0x14b: {  	v17 =	vmul.f32 v17, v3;
	v24 =	vld [tilespmem:s29+$0x20];
	v37 =	vpop (erf);
	(erf) = vpow2.f32 v38  }
0x14c: {  	v40 =	vmul.f32 v19, v2;
	v30 =	vld.idx.msk [tilespmem:v30+s8+$0x0], $0xffff;
	v38 =	vpop (erf);
	(erf) = vpow2.f32 v28  }
0x14d: {  	v20 =	vmul.f32 v16, v20;
	v26 =	vld.idx.msk [tilespmem:v26+s8+$0x0], $0xffff;
	v16 =	vpop (erf);
	(erf) = vrcp.f32 v13  }
0x14e: {  	v39 =	vmul.f32 v15, v0;
	v28 =	vld.idx.msk [tilespmem:v35+s8+$0x0], $0xffff;
	v35 =	vmul.f32 v38, v1;
	v38 =	vadd.f32 v14, v40  }
0x14f: {  	v15 =	vand.u32 $0xFFFF0000, v33;
	v14 =	vand.u32 $0xFFFF0000, v32;
	v25 =	vld.idx.msk [tilespmem:v25+s8+$0x0], $0xffff;
	(erf) = vrcp.f32 v23;
	v19 =	vpop (erf)  }
0x150: {  	v13 =	vand.u32 $0xFFFF0000, v31;
	v32 =	vmul.f32 v37, v0;
	v31 =	vand.u32 $0xFFFF0000, v34;
	v33 =	vpop (erf)  }
0x151: {  	v43 =	vadd.f32 v31, v13;
	v19 =	vmul.f32 v19, v2;
	v13 =	vld [tilespmem:s0+$0x20];
	v33 =	vmul.f32 v33, v1;
	v37 =	vpop (erf)  }
0x152: {  	v16 =	vmul.f32 v16, v1;
	v34 =	vshll.u32 v34, $0x10;
	v40 =	vld [tilespmem:s0+$0xFFFFFFE0];
	v37 =	vmul.f32 v37, v2  }
0x153: {  	v27 =	vmul.f32 v27, v3;
	v41 =	vand.u32 $0xFFFF0000, v26;
	v23 =	vmul.f32 v43, v23;
	v29 =	vld.idx.msk [tilespmem:v29+s8+$0x0], $0xffff;
	v31 =	vpop (erf)  }
0x154: {  	v30 =	vand.u32 $0xFFFF0000, v30;
	v14 =	vadd.f32 v41, v14;
	v28 =	vand.u32 $0xFFFF0000, v28;
	v41 =	vld [tilespmem:s0+$0x0];
	v42 =	vpop (erf)  }
0x155: {  	v43 =	vmul.f32 v23, v8;
	v23 =	vand.u32 $0xFFFF0000, v25;
	v24 =	vld.idx.msk [tilespmem:v24+s8+$0x0], $0xffff;
	v42 =	vmul.f32 v42, v3;
	v44 =	vpop (erf)  }
0x156: {  	v23 =	vadd.f32 v23, v28;
	v28 =	vmul.f32 v31, v2;
	v31 =	vmul.f32 v44, v0;
	v44 =	vpop (erf)  }
0x157: {  	v27 =	vadd.f32 v27, v19;
	v45 =	vmul.f32 v43, v6;
	v46 =	vld [tilespmem:s0+$0x10];
	(erf) = vrcp.f32 v40  }
0x158: {  	v19 =	vmul.f32 v43, v7;
	v40 =	vmul.f32 v14, v40;
	v37 =	vadd.f32 v42, v37;
	v14 =	vpop (erf)  }
0x159: {  	v42 =	vmul.f32 $1.442695020e+00, v45;
	v45 =	vand.u32 $0xFFFF0000, v29;
	(erf) = vrcp.f32 v41  }
0x15a: {  	v48 =	vmul.f32 $1.442695020e+00, v19;
	v30 =	vadd.f32 v45, v30;
	v33 =	vadd.f32 v37, v33;
	v47 =	vld [tilespmem:s30+$0xFFFFFFF0]  }
0x15b: {  	v17 =	vadd.f32 v17, v28;
	v37 =	vmul.f32 v43, v5;
	(erf) = vpow2.f32 v42  }
0x15c: {  	v19 =	vshll.u32 v29, $0x10;
	v28 =	vmul.f32 v30, v46;
	(erf) = vpow2.f32 v48  }
0x15d: {  	v29 =	vmul.f32 $1.442695020e+00, v37;
	v31 =	vadd.f32 v33, v31;
	v30 =	vand.u32 $0xFFFF0000, v24  }
0x15e: {  	v23 =	vmul.f32 v23, v41;
	v30 =	vadd.f32 v30, v15;
	v33 =	vld [tilespmem:s30+$0x0];
	(erf) = vrcp.f32 v46  }
0x15f: {  	v16 =	vadd.f32 v17, v16;
	v15 =	vmul.f32 v34, v47;
	(erf) = vpow2.f32 v29  }
0x160: {  	v17 =	vshll.u32 v24, $0x10;
	v28 =	vmul.f32 v28, v8;
	v29 =	vmul.f32 v23, v8;
	v24 =	vpop (erf)  }
0x161: {  	v34 =	vadd.f32 v16, v36;
	v16 =	vadd.f32 v27, v35;
	v27 =	vmul.f32 v31, v22  }
0x162: {  	v22 =	vshll.u32 v25, $0x10;
	v25 =	vmul.f32 v29, v6;
	v23 =	vmul.f32 v29, v4;
	v31 =	vpop (erf)  }
0x163: {  	v32 =	vadd.f32 v16, v32;
	v22 =	vmul.f32 v22, v33;
	v33 =	vmul.f32 v28, v6  }
0x164: {  	v38 =	vadd.f32 v38, v21;
	v35 =	vmul.f32 v43, v4;
	v36 =	vmul.f32 v28, v7;
	v37 =	vpop (erf)  }
0x165: {  	v16 =	vshll.u32 v26, $0x10;
	v32 =	vmul.f32 v32, v11;
	v21 =	vmul.f32 v37, v2;
	v26 =	vpop (erf)  }
0x166: {  	v35 =	vmul.f32 $1.442695020e+00, v35;
	v20 =	vmul.f32 v34, v20;
	v34 =	vadd.f32 v38, v39;
	v11 =	vmovc v22  }
0x167: {  	v37 =	vmul.f32 v29, v5;
	v38 =	vmul.f32 $1.442695020e+00, v33;
	v33 =	vpop (erf)  }
0x168: {  	v22 =	vmul.f32 v26, v1;
	v26 =	vmul.f32 v32, v10;
	v10 =	vmov v31;
	v39 =	vpop (erf)  }
0x169: {  	v27 =	vmul.f32 v27, v44;
	v31 =	vmul.f32 $1.442695020e+00, v36  }
0x16a: {  	v32 =	vmul.f32 v40, v8;
	v36 =	vmul.f32 v28, v4;
	[tilespmem:s9+$0x0] =	vst v26  }
0x16b: {  	v26 =	vmul.f32 v34, v18;
	(erf) = vpow2.f32 v35;
	[tilespmem:s9+$0x20] =	vst v27  }
0x16c: {  	v34 =	vmul.f32 v32, v4;
	v18 =	vmul.f32 $1.442695020e+00, v36  }
0x16d: {  	v35 =	vmul.f32 v32, v7;
	v26 =	vmul.f32 v26, v12;
	v12 =	vmov v33  }
0x16e: {  	v36 =	vmul.f32 v32, v5;
	v27 =	vmul.f32 v28, v5  }
0x16f: {  	v20 =	vmul.f32 v20, v9;
	v9 =	vmov v24;
	v28 =	vmul.f32 v32, v6;
	[tilespmem:s9+$0x10] =	vst v26  }
0x170: {  	v25 =	vmul.f32 $1.442695020e+00, v25;
	v27 =	vmul.f32 $1.442695020e+00, v27  }
0x171: {  	v26 =	vmul.f32 $1.442695020e+00, v35;
	(erf) = vpow2.f32 v31;
	[tilespmem:s9+$0xFFFFFFE0] =	vst v20;
	s9 =	smov.u32 s4  }
.Ltmp1:
0x172: {  	v33 =	vmul.f32 $1.442695020e+00, v34;
	(erf) = vpow2.f32 v38;
	(pc) =	sbr.rel @p0 .LBB2_5-.Ltmp1, $4  }
0x173: {  	v29 =	vmul.f32 v29, v7;
	v38 =	vmul.f32 v30, v13  }
0x174: {  	v32 =	vmul.f32 $1.442695020e+00, v36;
	v24 =	vmul.f32 $1.442695020e+00, v28;
	v30 =	vpop (erf)  }
0x175: {  	v34 =	vmul.f32 v39, v3;
	v35 =	vmul.f32 $1.442695020e+00, v37;
	s4 =	sadd.s32 $0x50, s4;
	v20 =	vld [tilespmem:s30+$0xFFFFFFE0]  }
0x176: {  	s19 =	sadd.s32 $0x50, s19;
	s0 =	sadd.s32 $0x50, s0;
	v31 =	vmul.f32 $1.442695020e+00, v29;
	v28 =	vmul.f32 v38, v8;
	s30 =	sadd.s32 $0x50, s30;
	v29 =	vld [tilespmem:s18+$0x10]  }
0x177: {  	(erf) = vpow2.f32 v33  }
0x178: {  	(erf) = vpow2.f32 v18  }
0x179: {  	(erf) = vpow2.f32 v35  }
0x17a: {  	v59 =	vmul.f32 $1.442695020e+00, v23;
	(erf) = vpow2.f32 v27  }
0x17b: {  	v60 =	vmul.f32 v28, v6;
	(erf) = vpow2.f32 v32  }
0x17c: {  	v61 =	vmul.f32 v28, v7;
	(erf) = vpow2.f32 v59  }
0x17d: {  	v62 =	vmul.f32 v28, v5;
	(erf) = vpow2.f32 v31  }
0x17e: {  	v63 =	vpop (erf);
	v35 =	vmul.f32 $1.442695020e+00, v61;
	(erf) = vpow2.f32 v26  }
0x17f: {  	v23 =	vmul.f32 $1.442695020e+00, v60;
	v36 =	vpop (erf);
	(erf) = vpow2.f32 v25  }
0x180: {  	v37 =	vpop (erf);
	(erf) = vpow2.f32 v35  }
0x181: {  	v18 =	vmul.f32 $1.442695020e+00, v62;
	v38 =	vpop (erf);
	(erf) = vpow2.f32 v23  }
0x182: {  	v21 =	vadd.f32 v34, v21;
	v39 =	vpop (erf);
	(erf) = vpow2.f32 v24  }
0x183: {  	v40 =	vmul.f32 v28, v4;
	v41 =	vpop (erf);
	(erf) = vpow2.f32 v18  }
0x184: {  	v43 =	vmul.f32 v30, v0;
	v21 =	vadd.f32 v21, v22;
	v42 =	vpop (erf)  }
0x185: {  	v24 =	vmul.f32 $1.442695020e+00, v40;
	v45 =	vpop (erf)  }
0x186: {  	v21 =	vadd.f32 v21, v43;
	v19 =	vmul.f32 v19, v29;
	v49 =	vmul.f32 v63, v1;
	v46 =	vpop (erf)  }
0x187: {  	v27 =	vmul.f32 v36, v2;
	(erf) = vpow2.f32 v24;
	v47 =	vpop (erf)  }
0x188: {  	v15 =	vmul.f32 v21, v15;
	v59 =	vmul.f32 v38, v0;
	v48 =	vpop (erf)  }
0x189: {  	v23 =	vmul.f32 v39, v3;
	v50 =	vpop (erf);
	v21 =	vmul.f32 v48, v2  }
0x18a: {  	v28 =	vmul.f32 v41, v3;
	v18 =	vmul.f32 v42, v3;
	v51 =	vpop (erf)  }
0x18b: {  	v56 =	vmul.f32 v45, v0;
	v22 =	vmul.f32 v46, v1;
	v52 =	vpop (erf);
	v21 =	vadd.f32 v23, v21  }
0x18c: {  	v27 =	vadd.f32 v28, v27;
	(erf) = vrcp.f32 v13;
	v53 =	vpop (erf);
	v13 =	vmul.f32 v52, v2  }
0x18d: {  	v44 =	vld [tilespmem:s18+$0x20];
	v30 =	vmul.f32 v51, v2;
	v33 =	vmul.f32 v53, v3;
	v21 =	vadd.f32 v21, v22  }
0x18e: {  	v24 =	vmul.f32 v47, v1;
	v60 =	vadd.f32 v27, v49;
	v13 =	vadd.f32 v18, v13  }
0x18f: {  	v54 =	vmul.f32 v50, v1;
	v55 =	vadd.f32 v33, v30;
	v21 =	vadd.f32 v21, v56  }
0x190: {  	v25 =	vmul.f32 v37, v0;
	v61 =	vadd.f32 v60, v59;
	v57 =	vpop (erf);
	v13 =	vadd.f32 v13, v24  }
0x191: {  	v58 =	vmul.f32 v57, v0;
	v23 =	vadd.f32 v55, v54;
	v11 =	vmul.f32 v21, v11  }
0x192: {  	v16 =	vmul.f32 v16, v20;
	v17 =	vmul.f32 v17, v44;
	v13 =	vadd.f32 v13, v25  }
0x193: {  	v22 =	vadd.f32 v23, v58;
	v10 =	vmul.f32 v11, v10;
	v11 =	vmul.f32 v61, v19  }
0x194: {  	v14 =	vmul.f32 v15, v14;
	v13 =	vmul.f32 v13, v16  }
0x195: {  	v17 =	vmul.f32 v22, v17;
	[tilespmem:s9+$0x0] =	vst v10;
	v10 =	vmul.f32 v11, v12  }
.Ltmp2:
0x196: {  	[tilespmem:s9+$0xFFFFFFF0] =	vst v14;
	v62 =	vpop (erf);
	v9 =	vmul.f32 v13, v9;
	(pc) =	sbr.rel @p1 .LBB2_8-.Ltmp2, $4  }
0x197: {  	v63 =	vmul.f32 v17, v62;
	[tilespmem:s9+$0x10] =	vst v10  }
0x198: {  	[tilespmem:s9+$0xFFFFFFE0] =	vst v9  }
0x199: {  	[tilespmem:s9+$0x20] =	vst v63  }
0x19a: {  	[spmem:s7] =	stream.indirect.scatter.add.f32 [tilespmem:s17], [sflag:$0x4], $0x1, s16, s12, $0xb8;
	[tilespmem:$0x1F980] =	vst v63  }
0x19b: {  	s0 =	sshrl.u32 s28, $0x3  }
0x19c: {  	s0 =	sadd.s32 $0x258, s0  }
0x19d: {  	s9 =	simm.s32 $0x1A900;
	s4 =	sadd.s32 s2, s0  }
0x19e: {  	[tilespmem:s9], [sflag:$0x2] =	stream.linear.gather [hbm4b:s4+s8], $0x640, $0x38;
	[tilespmem:$0x1F980] =	vst v63  }
0x19f: {  	s29 =	simm.s32 $0x1AF80;
	s28 =	sadd.s32 s3, s0  }
0x1a0: {  	[tilespmem:s29], [sflag:$0x2] =	stream.linear.gather [hbm4b:s28+s8], $0x640, $0x38;
	[tilespmem:$0x1F980] =	vst v63  }
.Ltmp3:
0x1a1: {  	_ = 	snop;
	(pc) =	sbr.rel .LBB2_2-.Ltmp3, $4  }
0x1a2: {  	s30 =	sadd.s32 s5, s0  }
0x1a3: {  	[tilespmem:s31], [sflag:$0x2] =	stream.linear.gather [hbm4b:s30+s8], $0x640, $0x38;
	[tilespmem:$0x1F980] =	vst v63  }
0x1a4: {  	s26 =	sadd.s32 $0x1, s26;
	s0 =	sadd.s32 s6, s0  }
0x1a5: {  	[tilespmem:s1], [sflag:$0x2] =	stream.linear.gather [hbm4b:s0+s8], $0x640, $0x38;
	[tilespmem:$0x1F980] =	vst v63  }
.LBB2_8:
0x1a6: {  	_ =	swait.ge [sflag:s11], $0x320  }
0x1a7: {  	[sflag:s11] =	ssyncset.done $0x0  }
0x1a8: {  	[sflag:s11] =	ssyncadd.s32 $0xFFFFFCE0  }
0x1a9: {  	_ =	swait.ge [sflag:s11], $0x320  }
0x1aa: {  	[sflag:s11] =	ssyncset.done $0x0  }
0x1ab: {  	[sflag:s11] =	ssyncadd.s32 $0xFFFFFCE0  }
0x1ac: {  	_ =	swait.ge [sflag:s11], $0x320  }
0x1ad: {  	[sflag:s11] =	ssyncset.done $0x0  }
0x1ae: {  	[sflag:s11] =	ssyncadd.s32 $0xFFFFFCE0  }
0x1af: {  	_ =	swait.ge [sflag:s11], $0x320  }
0x1b0: {  	[sflag:s11] =	ssyncset.done $0x0  }
0x1b1: {  	s29 =	simm.s32 $0x3;
	[sflag:s11] =	ssyncadd.s32 $0xFFFFFCE0  }
0x1b2: {  	_ =	swait.ge [sflag:s29], $0x640  }
0x1b3: {  	[sflag:s29] =	ssyncset.done $0x0  }
0x1b4: {  	s4 =	simm.s32 $0x18F20;
	[sflag:s29] =	ssyncadd.s32 $0xFFFFF9C0  }
0x1b5: {  	v9 =	vld [tilespmem:s4+$0xFFFFFFF0];
	_ =	sdelay $0x2  }
0x1b6: {  	v11 =	vld [tilespmem:s4+$0xFFFFFFE0]  }
0x1b7: {  	s25 =	simm.s32 $0x1DD20;
	v12 =	vld [tilespmem:s4+$0x0]  }
0x1b8: {  	s26 =	simm.s32 $0x195A0;
	v13 =	vld [tilespmem:s4+$0x10];
	[tilespmem:s25+$0xFFFFFFF0] =	vst v9  }
0x1b9: {  	v10 =	vld [tilespmem:s26+$0xFFFFFFF0];
	_ =	sdelay $0x1  }
0x1ba: {  	[tilespmem:s25+$0xFFFFFFE0] =	vst v11  }
0x1bb: {  	[tilespmem:s25+$0x0] =	vst v12;
	v14 =	vld [tilespmem:s26+$0xFFFFFFE0]  }
0x1bc: {  	s0 =	simm.s32 $0x19C20;
	v16 =	vld [tilespmem:s26+$0x0]  }
0x1bd: {  	[tilespmem:s25+$0x10] =	vst v13;
	v15 =	vld [tilespmem:s0+$0xFFFFFFF0]  }
0x1be: {  	v17 =	vld [tilespmem:s26+$0x10]  }
0x1bf: {  	v9 =	vld.idx.msk [tilespmem:v9+s8+$0x0], $0xffff  }
0x1c0: {  	v10 =	vld.idx.msk [tilespmem:v10+s8+$0x0], $0xffff  }
0x1c1: {  	v11 =	vld.idx.msk [tilespmem:v11+s8+$0x0], $0xffff  }
0x1c2: {  	v12 =	vld.idx.msk [tilespmem:v12+s8+$0x0], $0xffff  }
0x1c3: {  	v28 =	vld.idx.msk [tilespmem:v14+s8+$0x0], $0xffff  }
0x1c4: {  	v16 =	vld.idx.msk [tilespmem:v16+s8+$0x0], $0xffff  }
0x1c5: {  	v9 =	vand.u32 $0xFFFF0000, v9;
	v14 =	vld [tilespmem:s0+$0xFFFFFFE0];
	v18 =	vand.u32 $0xFFFF0000, v10  }
0x1c6: {  	v9 =	vadd.f32 v18, v9;
	v18 =	vld [tilespmem:s0+$0x0];
	_ =	sdelay $0x1  }
0x1c7: {  	(erf) = vrcp.f32 v15;
	v11 =	vand.u32 $0xFFFF0000, v11;
	v12 =	vand.u32 $0xFFFF0000, v12  }
0x1c8: {  	v22 =	vand.u32 $0xFFFF0000, v16;
	v9 =	vmul.f32 v9, v15;
	v15 =	vand.u32 $0xFFFF0000, v28  }
0x1c9: {  	v20 =	vld [tilespmem:s4+$0x20];
	(erf) = vrcp.f32 v14;
	v12 =	vadd.f32 v22, v12;
	v11 =	vadd.f32 v15, v11  }
0x1ca: {  	v13 =	vld.idx.msk [tilespmem:v13+s8+$0x0], $0xffff;
	v19 =	vmul.f32 v9, v8;
	(erf) = vrcp.f32 v18  }
0x1cb: {  	v17 =	vld.idx.msk [tilespmem:v17+s8+$0x0], $0xffff;
	v24 =	vmul.f32 v11, v14;
	v12 =	vmul.f32 v12, v18  }
0x1cc: {  	v9 =	vmul.f32 v19, v6;
	v21 =	vmul.f32 v19, v7  }
0x1cd: {  	v12 =	vmul.f32 v12, v8;
	v24 =	vmul.f32 v24, v8  }
0x1ce: {  	v15 =	vld [tilespmem:s0+$0x10];
	v9 =	vmul.f32 $1.442695020e+00, v9;
	v21 =	vmul.f32 $1.442695020e+00, v21  }
0x1cf: {  	s18 =	simm.s32 $0x1A2A0;
	v23 =	vmul.f32 v12, v4;
	v29 =	vmul.f32 v12, v5  }
0x1d0: {  	[tilespmem:s25+$0x20] =	vst v20;
	v22 =	vld [tilespmem:s18+$0xFFFFFFF0];
	(erf) = vpow2.f32 v9;
	v9 =	vand.u32 $0xFFFF0000, v13;
	v13 =	vand.u32 $0xFFFF0000, v17  }
0x1d1: {  	v18 =	vld [tilespmem:s26+$0x20];
	v34 =	vmul.f32 v24, v5;
	v9 =	vadd.f32 v13, v9;
	v13 =	vmul.f32 v19, v5  }
0x1d2: {  	v11 =	vld [tilespmem:s18+$0x0];
	(erf) = vpow2.f32 v21;
	v19 =	vmul.f32 v19, v4  }
0x1d3: {  	v35 =	vmul.f32 $1.442695020e+00, v29;
	(erf) = vrcp.f32 v15  }
0x1d4: {  	v10 =	vshll.u32 v10, $0x10;
	v9 =	vmul.f32 v9, v15;
	v13 =	vmul.f32 $1.442695020e+00, v13  }
0x1d5: {  	v15 =	vmul.f32 v10, v22;
	v19 =	vmul.f32 $1.442695020e+00, v19  }
0x1d6: {  	(erf) = vpow2.f32 v13;
	v25 =	vmul.f32 v9, v8;
	v13 =	vshll.u32 v16, $0x10  }
0x1d7: {  	v14 =	vpop (erf);
	v16 =	vmul.f32 v12, v6;
	v11 =	vmul.f32 v13, v11  }
0x1d8: {  	v20 =	vld.idx.msk [tilespmem:v20+s8+$0x0], $0xffff;
	v9 =	vpop (erf);
	v13 =	vmul.f32 v25, v6;
	v26 =	vmul.f32 v25, v7  }
0x1d9: {  	v31 =	vld.idx.msk [tilespmem:v18+s8+$0x0], $0xffff;
	v27 =	vmul.f32 v25, v5;
	v10 =	vpop (erf);
	(erf) = vpow2.f32 v19  }
0x1da: {  	v19 =	vmul.f32 v24, v4;
	v30 =	vmul.f32 $1.442695020e+00, v13  }
0x1db: {  	v13 =	vmul.f32 v25, v4;
	v32 =	vmul.f32 $1.442695020e+00, v26  }
0x1dc: {  	v26 =	vmul.f32 v24, v7;
	v24 =	vmul.f32 v24, v6  }
0x1dd: {  	v20 =	vand.u32 $0xFFFF0000, v20;
	v21 =	vpop (erf);
	v25 =	vmul.f32 $1.442695020e+00, v16;
	v18 =	vmul.f32 $1.442695020e+00, v13;
	v13 =	vld [tilespmem:s0+$0x20]  }
0x1de: {  	v33 =	vand.u32 $0xFFFF0000, v31;
	v27 =	vmul.f32 $1.442695020e+00, v27;
	v21 =	vmul.f32 v21, v2  }
0x1df: {  	v16 =	vadd.f32 v33, v20;
	v33 =	vmul.f32 $1.442695020e+00, v19;
	(erf) = vpow2.f32 v32  }
0x1e0: {  	v22 =	vpop (erf);
	(erf) = vpow2.f32 v30;
	v30 =	vmul.f32 v12, v7  }
0x1e1: {  	v22 =	vmul.f32 v22, v1;
	v26 =	vmul.f32 $1.442695020e+00, v26  }
0x1e2: {  	v19 =	vshll.u32 v17, $0x10;
	v24 =	vmul.f32 $1.442695020e+00, v24;
	v12 =	vpop (erf);
	v36 =	vmul.f32 v16, v13  }
0x1e3: {  	s9 =	simm.s32 $0x1C9A0;
	s20 =	simm.s32 $0x0;
	s19 =	simm.s32 $0x18F70;
	v29 =	vld [tilespmem:s18+$0x10];
	v17 =	vshll.u32 v31, $0x10;
	v32 =	vmul.f32 $1.442695020e+00, v34;
	v63 =	vpop (erf);
	v31 =	vmul.f32 $1.442695020e+00, v30  }
0x1e4: {  	s28 =	simm.s32 $0x1A2F0;
	s4 =	simm.s32 $0x1C9F0;
	v20 =	vld [tilespmem:s18+$0xFFFFFFE0];
	s0 =	simm.s32 $0x19C70;
	v34 =	vmul.f32 v63, v3;
	v16 =	vshll.u32 v28, $0x10;
	v30 =	vpop (erf);
	v28 =	vmul.f32 v36, v8  }
.LBB2_9:
0x1e5: {  	v36 =	vld [tilespmem:s19+$0xFFFFFFF0];
	s20 =	sadd.s32 $0x50, s20;
	v23 =	vmul.f32 $1.442695020e+00, v23;
	s25 =	sadd.s32 $0x50, s25;
	s26 =	sadd.s32 $0x50, s26;
	(erf) = vpow2.f32 v33  }
0x1e6: {  	v21 =	vadd.f32 v34, v21;
	v33 =	vld [tilespmem:s19+$0x20];
	p0 =	slt.u32 s20, $0x2D0;
	v34 =	vmul.f32 v28, v6;
	(erf) = vpow2.f32 v18  }
0x1e7: {  	v38 =	vmul.f32 v28, v5;
	v37 =	vld [tilespmem:s19+$0xFFFFFFE0];
	(erf) = vpow2.f32 v35  }
0x1e8: {  	v21 =	vadd.f32 v21, v22;
	v22 =	vmul.f32 v30, v0;
	v35 =	vld [tilespmem:s19+$0x0];
	(erf) = vpow2.f32 v27;
	v27 =	vpop (erf)  }
0x1e9: {  	v30 =	vld [tilespmem:s19+$0x10];
	v18 =	vmul.f32 v19, v29;
	(erf) = vpow2.f32 v32;
	v19 =	vpop (erf)  }
0x1ea: {  	v21 =	vadd.f32 v21, v22;
	v29 =	vmul.f32 $1.442695020e+00, v34;
	v32 =	vmul.f32 v28, v7;
	[tilespmem:s25+$0xFFFFFFF0] =	vst v36;
	v22 =	vld [tilespmem:s18+$0x20];
	s18 =	smov.u32 s28  }
0x1eb: {  	v38 =	vmul.f32 $1.442695020e+00, v38;
	v34 =	vld [tilespmem:s26+$0xFFFFFFF0];
	[tilespmem:s25+$0x20] =	vst v33;
	(erf) = vpow2.f32 v23  }
0x1ec: {  	v28 =	vmul.f32 v28, v4;
	[tilespmem:s25+$0xFFFFFFE0] =	vst v37;
	v23 =	vld [tilespmem:s0+$0xFFFFFFF0];
	(erf) = vpow2.f32 v31  }
0x1ed: {  	v21 =	vmul.f32 v21, v15;
	v31 =	vld.idx.msk [tilespmem:v36+s8+$0x0], $0xffff;
	[tilespmem:s25+$0x0] =	vst v35;
	(erf) = vpow2.f32 v26  }
0x1ee: {  	v32 =	vmul.f32 $1.442695020e+00, v32;
	v28 =	vmul.f32 $1.442695020e+00, v28;
	v26 =	vld [tilespmem:s26+$0xFFFFFFE0];
	v36 =	vpop (erf)  }
0x1ef: {  	v39 =	vmul.f32 v21, v14;
	v33 =	vld.idx.msk [tilespmem:v33+s8+$0x0], $0xffff;
	(erf) = vpow2.f32 v25;
	v15 =	vpop (erf)  }
0x1f0: {  	v21 =	vmul.f32 v27, v1;
	v25 =	vld [tilespmem:s26+$0x0];
	[tilespmem:s25+$0x10] =	vst v30;
	v27 =	vpop (erf);
	(erf) = vpow2.f32 v32  }
0x1f1: {  	v32 =	vld.idx.msk [tilespmem:v37+s8+$0x0], $0xffff;
	[tilespmem:s9+$0xFFFFFFF0] =	vst v39;
	v14 =	vpop (erf);
	(erf) = vpow2.f32 v29  }
0x1f2: {  	v22 =	vmul.f32 v17, v22;
	v29 =	vld [tilespmem:s26+$0x10];
	v14 =	vmul.f32 v14, v3;
	v17 =	vpop (erf)  }
0x1f3: {  	v36 =	vmul.f32 v36, v0;
	v34 =	vld.idx.msk [tilespmem:v34+s8+$0x0], $0xffff;
	(erf) = vpow2.f32 v24  }
0x1f4: {  	v17 =	vmul.f32 v17, v3;
	v24 =	vld [tilespmem:s26+$0x20];
	v37 =	vpop (erf);
	(erf) = vpow2.f32 v38  }
0x1f5: {  	v40 =	vmul.f32 v19, v2;
	v30 =	vld.idx.msk [tilespmem:v30+s8+$0x0], $0xffff;
	v38 =	vpop (erf);
	(erf) = vpow2.f32 v28  }
0x1f6: {  	v20 =	vmul.f32 v16, v20;
	v26 =	vld.idx.msk [tilespmem:v26+s8+$0x0], $0xffff;
	v16 =	vpop (erf);
	(erf) = vrcp.f32 v13  }
0x1f7: {  	v39 =	vmul.f32 v15, v0;
	v28 =	vld.idx.msk [tilespmem:v35+s8+$0x0], $0xffff;
	v35 =	vmul.f32 v38, v1;
	v38 =	vadd.f32 v14, v40  }
0x1f8: {  	v15 =	vand.u32 $0xFFFF0000, v33;
	v14 =	vand.u32 $0xFFFF0000, v32;
	v25 =	vld.idx.msk [tilespmem:v25+s8+$0x0], $0xffff;
	(erf) = vrcp.f32 v23;
	v19 =	vpop (erf)  }
0x1f9: {  	v13 =	vand.u32 $0xFFFF0000, v31;
	v32 =	vmul.f32 v37, v0;
	v31 =	vand.u32 $0xFFFF0000, v34;
	v33 =	vpop (erf)  }
0x1fa: {  	v43 =	vadd.f32 v31, v13;
	v19 =	vmul.f32 v19, v2;
	v13 =	vld [tilespmem:s0+$0x20];
	v33 =	vmul.f32 v33, v1;
	v37 =	vpop (erf)  }
0x1fb: {  	v16 =	vmul.f32 v16, v1;
	v34 =	vshll.u32 v34, $0x10;
	v40 =	vld [tilespmem:s0+$0xFFFFFFE0];
	v37 =	vmul.f32 v37, v2  }
0x1fc: {  	v27 =	vmul.f32 v27, v3;
	v41 =	vand.u32 $0xFFFF0000, v26;
	v23 =	vmul.f32 v43, v23;
	v29 =	vld.idx.msk [tilespmem:v29+s8+$0x0], $0xffff;
	v31 =	vpop (erf)  }
0x1fd: {  	v30 =	vand.u32 $0xFFFF0000, v30;
	v14 =	vadd.f32 v41, v14;
	v28 =	vand.u32 $0xFFFF0000, v28;
	v41 =	vld [tilespmem:s0+$0x0];
	v42 =	vpop (erf)  }
0x1fe: {  	v43 =	vmul.f32 v23, v8;
	v23 =	vand.u32 $0xFFFF0000, v25;
	v24 =	vld.idx.msk [tilespmem:v24+s8+$0x0], $0xffff;
	v42 =	vmul.f32 v42, v3;
	v44 =	vpop (erf)  }
0x1ff: {  	v23 =	vadd.f32 v23, v28;
	v28 =	vmul.f32 v31, v2;
	v31 =	vmul.f32 v44, v0;
	v44 =	vpop (erf)  }
0x200: {  	v27 =	vadd.f32 v27, v19;
	v45 =	vmul.f32 v43, v6;
	v46 =	vld [tilespmem:s0+$0x10];
	(erf) = vrcp.f32 v40  }
0x201: {  	v19 =	vmul.f32 v43, v7;
	v40 =	vmul.f32 v14, v40;
	v37 =	vadd.f32 v42, v37;
	v14 =	vpop (erf)  }
0x202: {  	v42 =	vmul.f32 $1.442695020e+00, v45;
	v45 =	vand.u32 $0xFFFF0000, v29;
	(erf) = vrcp.f32 v41  }
0x203: {  	v48 =	vmul.f32 $1.442695020e+00, v19;
	v30 =	vadd.f32 v45, v30;
	v33 =	vadd.f32 v37, v33;
	v47 =	vld [tilespmem:s28+$0xFFFFFFF0]  }
0x204: {  	v17 =	vadd.f32 v17, v28;
	v37 =	vmul.f32 v43, v5;
	(erf) = vpow2.f32 v42  }
0x205: {  	v19 =	vshll.u32 v29, $0x10;
	v28 =	vmul.f32 v30, v46;
	(erf) = vpow2.f32 v48  }
0x206: {  	v29 =	vmul.f32 $1.442695020e+00, v37;
	v31 =	vadd.f32 v33, v31;
	v30 =	vand.u32 $0xFFFF0000, v24  }
0x207: {  	v23 =	vmul.f32 v23, v41;
	v30 =	vadd.f32 v30, v15;
	v33 =	vld [tilespmem:s28+$0x0];
	(erf) = vrcp.f32 v46  }
0x208: {  	v16 =	vadd.f32 v17, v16;
	v15 =	vmul.f32 v34, v47;
	(erf) = vpow2.f32 v29  }
0x209: {  	v17 =	vshll.u32 v24, $0x10;
	v28 =	vmul.f32 v28, v8;
	v29 =	vmul.f32 v23, v8;
	v24 =	vpop (erf)  }
0x20a: {  	v34 =	vadd.f32 v16, v36;
	v16 =	vadd.f32 v27, v35;
	v27 =	vmul.f32 v31, v22  }
0x20b: {  	v22 =	vshll.u32 v25, $0x10;
	v25 =	vmul.f32 v29, v6;
	v23 =	vmul.f32 v29, v4;
	v31 =	vpop (erf)  }
0x20c: {  	v32 =	vadd.f32 v16, v32;
	v22 =	vmul.f32 v22, v33;
	v33 =	vmul.f32 v28, v6  }
0x20d: {  	v38 =	vadd.f32 v38, v21;
	v35 =	vmul.f32 v43, v4;
	v36 =	vmul.f32 v28, v7;
	v37 =	vpop (erf)  }
0x20e: {  	v16 =	vshll.u32 v26, $0x10;
	v32 =	vmul.f32 v32, v11;
	v21 =	vmul.f32 v37, v2;
	v26 =	vpop (erf)  }
0x20f: {  	v35 =	vmul.f32 $1.442695020e+00, v35;
	v20 =	vmul.f32 v34, v20;
	v34 =	vadd.f32 v38, v39;
	v11 =	vmovc v22  }
0x210: {  	v37 =	vmul.f32 v29, v5;
	v38 =	vmul.f32 $1.442695020e+00, v33;
	v33 =	vpop (erf)  }
0x211: {  	v22 =	vmul.f32 v26, v1;
	v26 =	vmul.f32 v32, v10;
	v10 =	vmov v31;
	v39 =	vpop (erf)  }
0x212: {  	v27 =	vmul.f32 v27, v44;
	v31 =	vmul.f32 $1.442695020e+00, v36  }
0x213: {  	v32 =	vmul.f32 v40, v8;
	v36 =	vmul.f32 v28, v4;
	[tilespmem:s9+$0x0] =	vst v26  }
0x214: {  	v26 =	vmul.f32 v34, v18;
	(erf) = vpow2.f32 v35;
	[tilespmem:s9+$0x20] =	vst v27  }
0x215: {  	v34 =	vmul.f32 v32, v4;
	v18 =	vmul.f32 $1.442695020e+00, v36  }
0x216: {  	v35 =	vmul.f32 v32, v7;
	v26 =	vmul.f32 v26, v12;
	v12 =	vmov v33  }
0x217: {  	v36 =	vmul.f32 v32, v5;
	v27 =	vmul.f32 v28, v5  }
0x218: {  	v20 =	vmul.f32 v20, v9;
	v9 =	vmov v24;
	v28 =	vmul.f32 v32, v6;
	[tilespmem:s9+$0x10] =	vst v26  }
0x219: {  	v25 =	vmul.f32 $1.442695020e+00, v25;
	v27 =	vmul.f32 $1.442695020e+00, v27  }
0x21a: {  	v26 =	vmul.f32 $1.442695020e+00, v35;
	(erf) = vpow2.f32 v31;
	[tilespmem:s9+$0xFFFFFFE0] =	vst v20;
	s9 =	smov.u32 s4  }
.Ltmp4:
0x21b: {  	v33 =	vmul.f32 $1.442695020e+00, v34;
	(erf) = vpow2.f32 v38;
	(pc) =	sbr.rel @p0 .LBB2_9-.Ltmp4, $4  }
0x21c: {  	v29 =	vmul.f32 v29, v7;
	v38 =	vmul.f32 v30, v13  }
0x21d: {  	v32 =	vmul.f32 $1.442695020e+00, v36;
	v24 =	vmul.f32 $1.442695020e+00, v28;
	v30 =	vpop (erf)  }
0x21e: {  	v34 =	vmul.f32 v39, v3;
	v35 =	vmul.f32 $1.442695020e+00, v37;
	s4 =	sadd.s32 $0x50, s4;
	v20 =	vld [tilespmem:s28+$0xFFFFFFE0]  }
0x21f: {  	s19 =	sadd.s32 $0x50, s19;
	s0 =	sadd.s32 $0x50, s0;
	v31 =	vmul.f32 $1.442695020e+00, v29;
	v28 =	vmul.f32 v38, v8;
	s28 =	sadd.s32 $0x50, s28;
	v29 =	vld [tilespmem:s18+$0x10]  }
0x220: {  	(erf) = vpow2.f32 v33  }
0x221: {  	(erf) = vpow2.f32 v18  }
0x222: {  	(erf) = vpow2.f32 v35  }
0x223: {  	v8 =	vmul.f32 $1.442695020e+00, v23;
	(erf) = vpow2.f32 v27  }
0x224: {  	v6 =	vmul.f32 v28, v6;
	(erf) = vpow2.f32 v32  }
0x225: {  	v7 =	vmul.f32 v28, v7;
	(erf) = vpow2.f32 v8  }
0x226: {  	v5 =	vmul.f32 v28, v5;
	(erf) = vpow2.f32 v31  }
0x227: {  	v63 =	vpop (erf);
	v7 =	vmul.f32 $1.442695020e+00, v7;
	(erf) = vpow2.f32 v26  }
0x228: {  	v6 =	vmul.f32 $1.442695020e+00, v6;
	v31 =	vpop (erf);
	(erf) = vpow2.f32 v25  }
0x229: {  	v32 =	vpop (erf);
	(erf) = vpow2.f32 v7  }
0x22a: {  	v5 =	vmul.f32 $1.442695020e+00, v5;
	v33 =	vpop (erf);
	(erf) = vpow2.f32 v6  }
0x22b: {  	v36 =	vpop (erf);
	(erf) = vpow2.f32 v24  }
0x22c: {  	v4 =	vmul.f32 v28, v4;
	v35 =	vadd.f32 v34, v21;
	v37 =	vpop (erf);
	(erf) = vpow2.f32 v5  }
0x22d: {  	v39 =	vmul.f32 v30, v0;
	v38 =	vpop (erf)  }
0x22e: {  	v4 =	vmul.f32 $1.442695020e+00, v4;
	v60 =	vmul.f32 v16, v20;
	v6 =	vadd.f32 v35, v22;
	v41 =	vpop (erf)  }
0x22f: {  	v19 =	vmul.f32 v19, v29;
	v8 =	vmul.f32 v63, v1;
	v42 =	vpop (erf)  }
0x230: {  	v18 =	vmul.f32 v31, v2;
	v6 =	vadd.f32 v6, v39;
	(erf) = vpow2.f32 v4;
	v43 =	vpop (erf)  }
0x231: {  	v55 =	vmul.f32 v33, v0;
	v21 =	vmul.f32 v36, v3;
	v44 =	vpop (erf)  }
0x232: {  	v24 =	vmul.f32 v37, v3;
	v6 =	vmul.f32 v6, v15;
	v45 =	vpop (erf)  }
0x233: {  	v5 =	vmul.f32 v38, v3;
	v52 =	vmul.f32 v41, v0;
	v46 =	vpop (erf)  }
0x234: {  	v22 =	vmul.f32 v42, v1;
	v15 =	vmul.f32 v44, v2;
	v47 =	vpop (erf)  }
0x235: {  	v18 =	vadd.f32 v24, v18;
	(erf) = vrcp.f32 v13;
	v48 =	vpop (erf);
	v51 =	vmul.f32 v47, v2  }
0x236: {  	v40 =	vld [tilespmem:s18+$0x20];
	v25 =	vmul.f32 v46, v2;
	v15 =	vadd.f32 v21, v15;
	v49 =	vmul.f32 v48, v3  }
0x237: {  	v53 =	vmul.f32 v43, v1;
	v8 =	vadd.f32 v18, v8;
	v2 =	vadd.f32 v5, v51  }
0x238: {  	v50 =	vmul.f32 v45, v1;
	v15 =	vadd.f32 v15, v22;
	v3 =	vadd.f32 v49, v25  }
0x239: {  	v57 =	vmul.f32 v32, v0;
	v54 =	vpop (erf);
	v5 =	vadd.f32 v8, v55;
	v1 =	vadd.f32 v2, v53  }
0x23a: {  	v4 =	vmul.f32 v54, v0;
	v56 =	vadd.f32 v15, v52;
	v3 =	vadd.f32 v3, v50  }
0x23b: {  	v17 =	vmul.f32 v17, v40;
	v5 =	vmul.f32 v5, v19;
	v0 =	vadd.f32 v1, v57  }
0x23c: {  	v58 =	vmul.f32 v6, v14;
	v59 =	vmul.f32 v56, v11;
	v3 =	vadd.f32 v3, v4  }
0x23d: {  	v63 =	vmul.f32 v5, v12;
	v0 =	vmul.f32 v0, v60  }
0x23e: {  	[tilespmem:s9+$0xFFFFFFF0] =	vst v58;
	v4 =	vmul.f32 v59, v10;
	v61 =	vmul.f32 v3, v17  }
0x23f: {  	v62 =	vpop (erf);
	[tilespmem:s9+$0x10] =	vst v63;
	v0 =	vmul.f32 v0, v9  }
0x240: {  	[tilespmem:s9+$0x0] =	vst v4;
	v1 =	vmul.f32 v61, v62  }
0x241: {  	[tilespmem:s9+$0xFFFFFFE0] =	vst v0  }
0x242: {  	s0 =	simm.s32 $0x320;
	s4 =	simm.s32 $0x1DD00;
	[tilespmem:s9+$0x20] =	vst v1  }
0x243: {  	[spmem:s7] =	stream.indirect.scatter.add.f32 [tilespmem:s14], [sflag:$0x3], $0x1, s4, s0, $0xb8;
	[tilespmem:$0x1F980] =	vst v63  }
0x244: {  	_ =	swait.ge [sflag:s29], $0x320  }
0x245: {  	[sflag:s29] =	ssyncset.done $0x0  }
0x246: {  	s9 =	simm.s32 $0x4;
	[sflag:s29] =	ssyncadd.s32 $0xFFFFFCE0  }
0x247: {  	_ =	swait.ge [sflag:s9], $0x640  }
0x248: {  	[sflag:s9] =	ssyncset.done $0x0  }
0x249: {  	[sflag:s9] =	ssyncadd.s32 $0xFFFFF9C0  }
0x24a: {  	[bflag:$0x0] =	sbarrier.arrive $0xFFFF  }
0x24b: {  	s4 =	rddreg [dreg:$0x13]  }
0x24c: {  	s25 =	simm.s32 $0x20;
	s19 =	simm.s32 $0x10;
	s18 =	rddreg [dreg:$0x14]  }
0x24d: {  	s26 =	simm.s32 $0x5;
	s20 =	rddreg [dreg:$0x18];
	s0 =	sor.u32 $0x1C05, s4  }
0x24e: {  	[hbm:s18@s25], [sflag:s0] =	dma.strided [spmem:s20@s19], $0x320, s11, $0x10   }
0x24f: {  	_ =	swait.ge [sflag:s26], $0x320  }
0x250: {  	s28 =	rddreg [dreg:$0x17]  }
0x251: {  	s30 =	rddreg [dreg:$0x15];
	s18 =	sadd.s32 $0x1, s28  }
0x252: {  	p0 =	sne.s32 s18, s30  }
.Ltmp5:
0x253: {  	_ = 	snop;
	(pc) =	sbr.rel @p0 .LBB2_1-.Ltmp5, $3  }
0x254: {  	_ =	sdelay $0x1  }
0x255: {  	[sflag:s26] =	ssyncset.done $0x0  }
0x256: {  	[sflag:s26] =	ssyncadd.s32 $0xFFFFFCE0  }
0x257: {  	_ =	sfence.sel $0x180000  }
0x258: {  	[bflag:$0x0] =	sbarrier.arrive $0xFFFF  }
0x259: {  	_ =	strace $0x90000047  }
0x25a: {  	s0 =	stileid.u32;
	[bflag:$0x2] =	sbarrier.arrive $0xFFFF  }
0x25b: {  	p0 =	sne.s32 s0, $0x0;
	s0 =	rddreg [dreg:$0x7]  }
0x25c: {  	s0 =	sadd.s32 @!p0 $0x100000, s0  }
0x25d: {  	[sflag:s0] =	ssyncadd.tile.s32 @!p0 $0x1;
	_ =	shalt  }
.Lfunc_end2:
_tile_overlayer_lowered:
.L_overlay_start_2:
0x25e: {  	(tag) =	ssettag $0x2  }
0x25f: {  	s0 =	rddreg [dreg:$0x0];
	s2 =	stileid.u32  }
0x260: {  	s1 =	rddreg [dreg:$0x1];
	p0 =	sne.s32 s2, $0x0  }
0x261: {  	s3 =	rddreg [dreg:$0x2];
	[bflag:$0x3] =	sbarrier.arrive $0xFFFF;
	s2 =	simm.s32 @!p0 $0x1C05  }
0x262: {  	[timem:s3], [sflag:s2] =	dma.local @!p0 [hbm:s0], s1  }
0x263: {  	s0 =	simm.s32 @!p0 $0x5  }
0x264: {  	_ =	swait.ge @!p0 [sflag:s0], s1  }
0x265: {  	s1 =	ssub.s32 @!p0 $0x0, s1;
	[sflag:s0] =	ssyncset.done @!p0 $0x0  }
0x266: {  	[sflag:s0] =	ssyncadd.s32 @!p0 s1  }
0x267: {  	[bflag:$0x3] =	sbarrier.arrive $0xFFFF  }
0x268: {  	_ =	shalt  }

</sc_bundles>
